<compile_context>
chip_gen: v7x
topology: tpu7x:2x2x1
jax: 0.10.2.dev20260603
libtpu: 0.0.44.dev20260713+nightly
codegen_flags: <defaults>
</compile_context>

<pallas_src>
import functools

import jax
import jax.numpy as jnp
from jax import lax
from jax.experimental import pallas as pl
from jax.experimental.pallas import tpu as pltpu
from jax.experimental.pallas import tpu_sc as plsc

_D = 64
_DP = 128
_RPD = 128
_K = 2
_GROUP = _K * _RPD


@functools.lru_cache(maxsize=None)
def _build(n_rows, n_cols, nw):
    rows_per_w = n_rows // nw
    gpc = rows_per_w // _GROUP
    ng = n_cols * gpc

    mesh = plsc.VectorSubcoreMesh(core_axis_name="c", subcore_axis_name="s")

    @functools.partial(
        pl.kernel,
        mesh=mesh,
        compiler_params=pltpu.CompilerParams(use_tc_tiling_on_sc=False),
        out_type=jax.ShapeDtypeStruct((n_rows, (n_cols + 7) // 8, 8, _DP),
                                      jnp.float32),
        scratch_types=[
            pltpu.VMEM((n_cols, rows_per_w), jnp.int32),
            pltpu.VMEM((2, _GROUP, _DP), jnp.float32),
            pltpu.SemaphoreType.DMA,
            pltpu.SemaphoreType.DMA,
        ],
    )
    def gather_kernel(idx_hbm, table_hbm, out_hbm, idx_v, rows_v, sem0, sem1):
        wid = lax.axis_index("s") * 2 + lax.axis_index("c")
        base = wid * rows_per_w
        pltpu.sync_copy(idx_hbm.at[:, pl.ds(base, rows_per_w)], idx_v)

        sems = (sem0, sem1)

        def fire(g, b):
            j = g // gpc
            half = g % gpc
            for jj in range(_K):
                pltpu.async_copy(
                    table_hbm.at[
                        idx_v.at[j, pl.ds(half * _GROUP + jj * _RPD, _RPD)]],
                    rows_v.at[b, pl.ds(jj * _RPD, _RPD)],
                    sems[b],
                )

        def drain(b):
            pltpu.make_async_copy(
                table_hbm.at[pl.ds(0, _GROUP)],
                rows_v.at[b],
                sems[b],
            ).wait()

        def store(g, b):
            j = g // gpc
            half = g % gpc
            pltpu.sync_copy(
                rows_v.at[b],
                out_hbm.at[pl.ds(base + half * _GROUP, _GROUP), j // 8, j % 8],
            )

        fire(0, 0)

        def body(i, carry):
            for b in range(2):
                g = i * 2 + b

                @pl.when(g + 1 < ng)
                def _():
                    fire(g + 1, 1 - b)

                drain(b)
                store(g, b)
            return carry

        lax.fori_loop(0, ng // 2, body, 0)

    return gather_kernel


def kernel(node_ids, embedding_weight):
    r, c = node_ids.shape
    d = embedding_weight.shape[1]
    info = plsc.get_sparse_core_info()
    nw = info.num_cores * info.num_subcores
    ids_t = node_ids.astype(jnp.int32).T
    tab128 = jnp.pad(embedding_weight, ((0, 0), (0, _DP - d)))
    out4 = _build(r, c, nw)(ids_t, tab128)
    return out4.reshape(r, 8 * ((c + 7) // 8), _DP)[:, :c, :d]

# --- scband reference (transcript-rebuilt; emitter-appended) ---
"""Pipeline reference for scband-unse-81011673137255 (READ-ONLY COPY).

The authoritative reference and input builder live on the scoring server;
editing this copy changes nothing except your own understanding.
"""

import jax, jax.numpy as jnp
import numpy as np

INPUT_DIM = 1000000
OUTPUT_DIM = 64

def _xavier_uniform(key, shape):
    fan_in, fan_out = shape[0], shape[1]
    limit = float(np.sqrt(6.0 / (fan_in + fan_out)))
    return jax.random.uniform(key, shape, dtype=jnp.float32, minval=-limit, maxval=limit)

def setup_inputs(seed: int = 0) -> dict:
    key = jax.random.key(seed)
    k_idx, k_emb, k_ctx = jax.random.split(key, 3)
    node_ids = jax.random.randint(k_idx, (16384, 50), 0, INPUT_DIM, dtype=jnp.int64 if jax.config.jax_enable_x64 else jnp.int32)
    embedding_weight = _xavier_uniform(k_emb, (INPUT_DIM, OUTPUT_DIM))
    return {"node_ids": node_ids, "embedding_weight": embedding_weight}

def reference(node_ids, embedding_weight):
    # UNSE.forward: simple embedding lookup (dynamic resize never triggers since ids < input_dim)
    node_embeddings = jnp.take(embedding_weight, node_ids, axis=0)
    return node_embeddings

if __name__ == "__main__":
    import jax
    _d = setup_inputs()
    print(jax.jit(kernel)(*tuple(_d.values())))

</pallas_src>

<mosaic_0001>
#map = affine_map<(d0, d1) -> (0, 0)>
#map1 = affine_map<(d0, d1) -> (0, 0, 0, 0)>
module attributes {stable_mosaic.version = 14 : i64} {
  func.func @gather_kernel(%arg0: i32, %arg1: i32, %arg2: memref<50x16384xi32, #tpu.memory_space<hbm>>, %arg3: memref<1000000x128xf32, #tpu.memory_space<hbm>>, %arg4: memref<16384x7x8x128xf32, #tpu.memory_space<hbm>>, %arg5: memref<50x512xi32, #tpu.memory_space<vmem>>, %arg6: memref<2x256x128xf32, #tpu.memory_space<vmem>>, %arg7: memref<!tpu.dma_semaphore, #tpu.memory_space<semaphore_mem>>, %arg8: memref<!tpu.dma_semaphore, #tpu.memory_space<semaphore_mem>>) attributes {dimension_semantics = [#tpu.dimension_semantics<core_parallel>, #tpu.dimension_semantics<subcore_parallel>], iteration_bounds = array<i64: 2, 16>, scalar_prefetch = 0 : i64, scratch_operands = 4 : i64, tpu.core_type = #tpu.core_type<sc_vector_subcore>, window_params = [{transform_indices = #map}, {transform_indices = #map}, {transform_indices = #map1}]} {
    %mul3A = arith.constant 2 : i32
    %mul3A_0 = arith.muli %arg1, %mul3A : i32
    %add3A = arith.addi %mul3A_0, %arg0 : i32
    %mul3A_1 = arith.constant 512 : i32
    %mul3A_2 = arith.muli %add3A, %mul3A_1 : i32
    "tpu.region"() ({
      %run_scoped3A = tpu.sem_alloc : memref<!tpu.dma_semaphore, #tpu.memory_space<semaphore_mem>>
      %dma_start3A_31 = arith.constant 0 : i32
      %dma_start3A_32 = tpu.memref_slice %arg2[%dma_start3A_31, %mul3A_2] : memref<50x16384xi32, #tpu.memory_space<hbm>> -> memref<50x512xi32, #tpu.memory_space<hbm>>
      %dma_start3A_33 = arith.constant 0 : i32
      %dma_start3A_34 = tpu.memref_slice %arg2[%dma_start3A_33, %mul3A_2] : memref<50x16384xi32, #tpu.memory_space<hbm>> -> memref<50x512xi32, #tpu.memory_space<hbm>>
      tpu.enqueue_dma source(%dma_start3A_34 : memref<50x512xi32, #tpu.memory_space<hbm>>) target(%arg5 : memref<50x512xi32, #tpu.memory_space<vmem>>) target_semaphore(%run_scoped3A : memref<!tpu.dma_semaphore, #tpu.memory_space<semaphore_mem>>)
      %dma_wait3A = arith.constant 0 : i32
      %dma_wait3A_35 = tpu.memref_slice %arg2[%dma_wait3A, %mul3A_2] : memref<50x16384xi32, #tpu.memory_space<hbm>> -> memref<50x512xi32, #tpu.memory_space<hbm>>
      %dma_wait3A_36 = arith.constant 0 : i32
      %dma_wait3A_37 = tpu.memref_slice %arg2[%dma_wait3A_36, %mul3A_2] : memref<50x16384xi32, #tpu.memory_space<hbm>> -> memref<50x512xi32, #tpu.memory_space<hbm>>
      tpu.wait_dma2 semaphore(%run_scoped3A : memref<!tpu.dma_semaphore, #tpu.memory_space<semaphore_mem>>) src(%dma_wait3A_37 : memref<50x512xi32, #tpu.memory_space<hbm>>) dst(%arg5 : memref<50x512xi32, #tpu.memory_space<vmem>>)
      tpu.yield
    }) : () -> ()
    %dma_start3A = arith.constant 0 : i32
    %dma_start3A_3 = arith.constant 0 : i32
    %dma_start3A_4 = arith.constant 0 : i32
    %dma_start3A_5 = arith.constant 0 : i32
    %dma_start3A_6 = tpu.memref_slice %arg6[%dma_start3A_3, %dma_start3A_4, %dma_start3A_5] : memref<2x256x128xf32, #tpu.memory_space<vmem>> -> memref<1x128x128xf32, #tpu.memory_space<vmem>>
    %dma_start3A_7 = tpu.memref_squeeze %dma_start3A_6 : memref<1x128x128xf32, #tpu.memory_space<vmem>> -> memref<128x128xf32, #tpu.memory_space<vmem>>
    %dma_start3A_8 = arith.constant 0 : i32
    %dma_start3A_9 = tpu.memref_slice %arg5[%dma_start3A, %dma_start3A_8] : memref<50x512xi32, #tpu.memory_space<vmem>> -> memref<1x128xi32, #tpu.memory_space<vmem>>
    %dma_start3A_10 = tpu.memref_squeeze %dma_start3A_9 : memref<1x128xi32, #tpu.memory_space<vmem>> -> memref<128xi32, #tpu.memory_space<vmem>>
    %dma_start3A_11 = arith.constant 0 : i32
    %dma_start3A_12 = arith.constant 0 : i32
    %dma_start3A_13 = tpu.memref_slice %arg3[%dma_start3A_11, %dma_start3A_12] : memref<1000000x128xf32, #tpu.memory_space<hbm>> -> memref<1000000x128xf32, #tpu.memory_space<hbm>>
    tpu.enqueue_indirect_dma source(%dma_start3A_13 : memref<1000000x128xf32, #tpu.memory_space<hbm>>) target(%dma_start3A_7 : memref<128x128xf32, #tpu.memory_space<vmem>>) offsets(%dma_start3A_10 : memref<128xi32, #tpu.memory_space<vmem>>) semaphore(%arg7 : memref<!tpu.dma_semaphore, #tpu.memory_space<semaphore_mem>>)
    %dma_start3A_14 = arith.constant 0 : i32
    %dma_start3A_15 = arith.constant 0 : i32
    %dma_start3A_16 = arith.constant 128 : i32
    %dma_start3A_17 = arith.constant 0 : i32
    %dma_start3A_18 = tpu.memref_slice %arg6[%dma_start3A_15, %dma_start3A_16, %dma_start3A_17] : memref<2x256x128xf32, #tpu.memory_space<vmem>> -> memref<1x128x128xf32, #tpu.memory_space<vmem>>
    %dma_start3A_19 = tpu.memref_squeeze %dma_start3A_18 : memref<1x128x128xf32, #tpu.memory_space<vmem>> -> memref<128x128xf32, #tpu.memory_space<vmem>>
    %dma_start3A_20 = arith.constant 128 : i32
    %dma_start3A_21 = tpu.memref_slice %arg5[%dma_start3A_14, %dma_start3A_20] : memref<50x512xi32, #tpu.memory_space<vmem>> -> memref<1x128xi32, #tpu.memory_space<vmem>>
    %dma_start3A_22 = tpu.memref_squeeze %dma_start3A_21 : memref<1x128xi32, #tpu.memory_space<vmem>> -> memref<128xi32, #tpu.memory_space<vmem>>
    %dma_start3A_23 = arith.constant 0 : i32
    %dma_start3A_24 = arith.constant 0 : i32
    %dma_start3A_25 = tpu.memref_slice %arg3[%dma_start3A_23, %dma_start3A_24] : memref<1000000x128xf32, #tpu.memory_space<hbm>> -> memref<1000000x128xf32, #tpu.memory_space<hbm>>
    tpu.enqueue_indirect_dma source(%dma_start3A_25 : memref<1000000x128xf32, #tpu.memory_space<hbm>>) target(%dma_start3A_19 : memref<128x128xf32, #tpu.memory_space<vmem>>) offsets(%dma_start3A_22 : memref<128xi32, #tpu.memory_space<vmem>>) semaphore(%arg7 : memref<!tpu.dma_semaphore, #tpu.memory_space<semaphore_mem>>)
    %scan3A = arith.constant 0 : i32
    %scan3A_26 = arith.constant 0 : i32
    %scan3A_27 = arith.constant 50 : i32
    %scan3A_28 = arith.addi %scan3A_26, %scan3A_27 : i32
    %scan3A_29 = arith.constant 1 : i32
    scf.for %scan3A_31 = %scan3A_26 to %scan3A_28 step %scan3A_29  : i32 {
      %mul3A_32 = arith.constant 2 : i32
      %mul3A_33 = arith.muli %scan3A_31, %mul3A_32 : i32
      %add3A_34 = arith.constant 0 : i32
      %add3A_35 = arith.addi %mul3A_33, %add3A_34 : i32
      %add3A_36 = arith.constant 1 : i32
      %add3A_37 = arith.addi %add3A_35, %add3A_36 : i32
      %lt3A = arith.constant 100 : i32
      %lt3A_38 = arith.cmpi slt, %add3A_37, %lt3A : i32
      %convert_element_type3A = arith.extui %lt3A_38 : i1 to i32
      %cond3A = arith.constant 0 : i32
      %cond3A_39 = arith.cmpi ne, %convert_element_type3A, %cond3A : i32
      scf.if %cond3A_39 {
        %add3A_238 = arith.constant 1 : i32
        %add3A_239 = arith.addi %add3A_35, %add3A_238 : i32
        %jit3A_240 = arith.constant 2 : i32
        %div3A_241 = arith.divsi %add3A_239, %jit3A_240 : i32
        %sign3A_242 = arith.constant 0 : i32
        %sign3A_243 = arith.cmpi sgt, %add3A_239, %sign3A_242 : i32
        %sign3A_244 = arith.extui %sign3A_243 : i1 to i32
        %sign3A_245 = arith.constant 0 : i32
        %sign3A_246 = arith.cmpi slt, %add3A_239, %sign3A_245 : i32
        %sign3A_247 = arith.extui %sign3A_246 : i1 to i32
        %sign3A_248 = arith.subi %sign3A_244, %sign3A_247 : i32
        %sign3A_249 = arith.constant 0 : i32
        %sign3A_250 = arith.cmpi sgt, %jit3A_240, %sign3A_249 : i32
        %sign3A_251 = arith.extui %sign3A_250 : i1 to i32
        %sign3A_252 = arith.constant 0 : i32
        %sign3A_253 = arith.cmpi slt, %jit3A_240, %sign3A_252 : i32
        %sign3A_254 = arith.extui %sign3A_253 : i1 to i32
        %sign3A_255 = arith.subi %sign3A_251, %sign3A_254 : i32
        %ne3A_256 = arith.cmpi ne, %sign3A_248, %sign3A_255 : i32
        %rem3A_257 = arith.remsi %add3A_239, %jit3A_240 : i32
        %ne3A_258 = arith.constant 0 : i32
        %ne3A_259 = arith.cmpi ne, %rem3A_257, %ne3A_258 : i32
        %and3A_260 = arith.andi %ne3A_256, %ne3A_259 : i1
        %sub3A_261 = arith.constant 1 : i32
        %sub3A_262 = arith.subi %div3A_241, %sub3A_261 : i32
        %select_n3A_263 = arith.select %and3A_260, %sub3A_262, %div3A_241 : i32
        %jit3A_264 = arith.constant 2 : i32
        %eq3A_265 = arith.constant 0 : i32
        %eq3A_266 = arith.cmpi eq, %jit3A_264, %eq3A_265 : i32
        %jit3A_267 = arith.constant 1 : i32
        %select_n3A_268 = arith.select %eq3A_266, %jit3A_267, %jit3A_264 : i32
        %rem3A_269 = arith.remsi %add3A_239, %select_n3A_268 : i32
        %ne3A_270 = arith.constant 0 : i32
        %ne3A_271 = arith.cmpi ne, %rem3A_269, %ne3A_270 : i32
        %lt3A_272 = arith.constant 0 : i32
        %lt3A_273 = arith.cmpi slt, %rem3A_269, %lt3A_272 : i32
        %lt3A_274 = arith.constant 0 : i32
        %lt3A_275 = arith.cmpi slt, %select_n3A_268, %lt3A_274 : i32
        %ne3A_276 = arith.xori %lt3A_273, %lt3A_275 : i1
        %and3A_277 = arith.andi %ne3A_276, %ne3A_271 : i1
        %add3A_278 = arith.addi %rem3A_269, %select_n3A_268 : i32
        %select_n3A_279 = arith.select %and3A_277, %add3A_278, %rem3A_269 : i32
        %mul3A_280 = arith.constant 256 : i32
        %mul3A_281 = arith.muli %select_n3A_279, %mul3A_280 : i32
        %add3A_282 = arith.constant 0 : i32
        %add3A_283 = arith.addi %mul3A_281, %add3A_282 : i32
        %dma_start3A_284 = arith.constant 1 : i32
        %dma_start3A_285 = arith.constant 0 : i32
        %dma_start3A_286 = arith.constant 0 : i32
        %dma_start3A_287 = tpu.memref_slice %arg6[%dma_start3A_284, %dma_start3A_285, %dma_start3A_286] : memref<2x256x128xf32, #tpu.memory_space<vmem>> -> memref<1x128x128xf32, #tpu.memory_space<vmem>>
        %dma_start3A_288 = tpu.memref_squeeze %dma_start3A_287 : memref<1x128x128xf32, #tpu.memory_space<vmem>> -> memref<128x128xf32, #tpu.memory_space<vmem>>
        %dma_start3A_289 = tpu.memref_slice %arg5[%select_n3A_263, %add3A_283] : memref<50x512xi32, #tpu.memory_space<vmem>> -> memref<1x128xi32, #tpu.memory_space<vmem>>
        %dma_start3A_290 = tpu.memref_squeeze %dma_start3A_289 : memref<1x128xi32, #tpu.memory_space<vmem>> -> memref<128xi32, #tpu.memory_space<vmem>>
        %dma_start3A_291 = arith.constant 0 : i32
        %dma_start3A_292 = arith.constant 0 : i32
        %dma_start3A_293 = tpu.memref_slice %arg3[%dma_start3A_291, %dma_start3A_292] : memref<1000000x128xf32, #tpu.memory_space<hbm>> -> memref<1000000x128xf32, #tpu.memory_space<hbm>>
        tpu.enqueue_indirect_dma source(%dma_start3A_293 : memref<1000000x128xf32, #tpu.memory_space<hbm>>) target(%dma_start3A_288 : memref<128x128xf32, #tpu.memory_space<vmem>>) offsets(%dma_start3A_290 : memref<128xi32, #tpu.memory_space<vmem>>) semaphore(%arg8 : memref<!tpu.dma_semaphore, #tpu.memory_space<semaphore_mem>>)
        %mul3A_294 = arith.constant 256 : i32
        %mul3A_295 = arith.muli %select_n3A_279, %mul3A_294 : i32
        %add3A_296 = arith.constant 128 : i32
        %add3A_297 = arith.addi %mul3A_295, %add3A_296 : i32
        %dma_start3A_298 = arith.constant 1 : i32
        %dma_start3A_299 = arith.constant 128 : i32
        %dma_start3A_300 = arith.constant 0 : i32
        %dma_start3A_301 = tpu.memref_slice %arg6[%dma_start3A_298, %dma_start3A_299, %dma_start3A_300] : memref<2x256x128xf32, #tpu.memory_space<vmem>> -> memref<1x128x128xf32, #tpu.memory_space<vmem>>
        %dma_start3A_302 = tpu.memref_squeeze %dma_start3A_301 : memref<1x128x128xf32, #tpu.memory_space<vmem>> -> memref<128x128xf32, #tpu.memory_space<vmem>>
        %dma_start3A_303 = tpu.memref_slice %arg5[%select_n3A_263, %add3A_297] : memref<50x512xi32, #tpu.memory_space<vmem>> -> memref<1x128xi32, #tpu.memory_space<vmem>>
        %dma_start3A_304 = tpu.memref_squeeze %dma_start3A_303 : memref<1x128xi32, #tpu.memory_space<vmem>> -> memref<128xi32, #tpu.memory_space<vmem>>
        %dma_start3A_305 = arith.constant 0 : i32
        %dma_start3A_306 = arith.constant 0 : i32
        %dma_start3A_307 = tpu.memref_slice %arg3[%dma_start3A_305, %dma_start3A_306] : memref<1000000x128xf32, #tpu.memory_space<hbm>> -> memref<1000000x128xf32, #tpu.memory_space<hbm>>
        tpu.enqueue_indirect_dma source(%dma_start3A_307 : memref<1000000x128xf32, #tpu.memory_space<hbm>>) target(%dma_start3A_302 : memref<128x128xf32, #tpu.memory_space<vmem>>) offsets(%dma_start3A_304 : memref<128xi32, #tpu.memory_space<vmem>>) semaphore(%arg8 : memref<!tpu.dma_semaphore, #tpu.memory_space<semaphore_mem>>)
      } else {
      }
      %dma_wait3A = arith.constant 0 : i32
      %dma_wait3A_40 = arith.constant 0 : i32
      %dma_wait3A_41 = arith.constant 0 : i32
      %dma_wait3A_42 = tpu.memref_slice %arg6[%dma_wait3A, %dma_wait3A_40, %dma_wait3A_41] : memref<2x256x128xf32, #tpu.memory_space<vmem>> -> memref<1x256x128xf32, #tpu.memory_space<vmem>>
      %dma_wait3A_43 = tpu.memref_squeeze %dma_wait3A_42 : memref<1x256x128xf32, #tpu.memory_space<vmem>> -> memref<256x128xf32, #tpu.memory_space<vmem>>
      %dma_wait3A_44 = arith.constant 0 : i32
      %dma_wait3A_45 = arith.constant 0 : i32
      %dma_wait3A_46 = tpu.memref_slice %arg3[%dma_wait3A_44, %dma_wait3A_45] : memref<1000000x128xf32, #tpu.memory_space<hbm>> -> memref<256x128xf32, #tpu.memory_space<hbm>>
      %dma_wait3A_47 = arith.constant 0 : i32
      %dma_wait3A_48 = arith.constant 0 : i32
      %dma_wait3A_49 = tpu.memref_slice %arg6[%dma_wait3A, %dma_wait3A_47, %dma_wait3A_48] : memref<2x256x128xf32, #tpu.memory_space<vmem>> -> memref<1x256x128xf32, #tpu.memory_space<vmem>>
      %dma_wait3A_50 = tpu.memref_squeeze %dma_wait3A_49 : memref<1x256x128xf32, #tpu.memory_space<vmem>> -> memref<256x128xf32, #tpu.memory_space<vmem>>
      %dma_wait3A_51 = arith.constant 0 : i32
      %dma_wait3A_52 = arith.constant 0 : i32
      %dma_wait3A_53 = tpu.memref_slice %arg3[%dma_wait3A_51, %dma_wait3A_52] : memref<1000000x128xf32, #tpu.memory_space<hbm>> -> memref<256x128xf32, #tpu.memory_space<hbm>>
      tpu.wait_dma2 semaphore(%arg7 : memref<!tpu.dma_semaphore, #tpu.memory_space<semaphore_mem>>) src(%dma_wait3A_53 : memref<256x128xf32, #tpu.memory_space<hbm>>) dst(%dma_wait3A_50 : memref<256x128xf32, #tpu.memory_space<vmem>>)
      %jit3A = arith.constant 2 : i32
      %div3A = arith.divsi %add3A_35, %jit3A : i32
      %sign3A = arith.constant 0 : i32
      %sign3A_54 = arith.cmpi sgt, %add3A_35, %sign3A : i32
      %sign3A_55 = arith.extui %sign3A_54 : i1 to i32
      %sign3A_56 = arith.constant 0 : i32
      %sign3A_57 = arith.cmpi slt, %add3A_35, %sign3A_56 : i32
      %sign3A_58 = arith.extui %sign3A_57 : i1 to i32
      %sign3A_59 = arith.subi %sign3A_55, %sign3A_58 : i32
      %sign3A_60 = arith.constant 0 : i32
      %sign3A_61 = arith.cmpi sgt, %jit3A, %sign3A_60 : i32
      %sign3A_62 = arith.extui %sign3A_61 : i1 to i32
      %sign3A_63 = arith.constant 0 : i32
      %sign3A_64 = arith.cmpi slt, %jit3A, %sign3A_63 : i32
      %sign3A_65 = arith.extui %sign3A_64 : i1 to i32
      %sign3A_66 = arith.subi %sign3A_62, %sign3A_65 : i32
      %ne3A = arith.cmpi ne, %sign3A_59, %sign3A_66 : i32
      %rem3A = arith.remsi %add3A_35, %jit3A : i32
      %ne3A_67 = arith.constant 0 : i32
      %ne3A_68 = arith.cmpi ne, %rem3A, %ne3A_67 : i32
      %and3A = arith.andi %ne3A, %ne3A_68 : i1
      %sub3A = arith.constant 1 : i32
      %sub3A_69 = arith.subi %div3A, %sub3A : i32
      %select_n3A = arith.select %and3A, %sub3A_69, %div3A : i32
      %jit3A_70 = arith.constant 2 : i32
      %eq3A = arith.constant 0 : i32
      %eq3A_71 = arith.cmpi eq, %jit3A_70, %eq3A : i32
      %jit3A_72 = arith.constant 1 : i32
      %select_n3A_73 = arith.select %eq3A_71, %jit3A_72, %jit3A_70 : i32
      %rem3A_74 = arith.remsi %add3A_35, %select_n3A_73 : i32
      %ne3A_75 = arith.constant 0 : i32
      %ne3A_76 = arith.cmpi ne, %rem3A_74, %ne3A_75 : i32
      %lt3A_77 = arith.constant 0 : i32
      %lt3A_78 = arith.cmpi slt, %rem3A_74, %lt3A_77 : i32
      %lt3A_79 = arith.constant 0 : i32
      %lt3A_80 = arith.cmpi slt, %select_n3A_73, %lt3A_79 : i32
      %ne3A_81 = arith.xori %lt3A_78, %lt3A_80 : i1
      %and3A_82 = arith.andi %ne3A_81, %ne3A_76 : i1
      %add3A_83 = arith.addi %rem3A_74, %select_n3A_73 : i32
      %select_n3A_84 = arith.select %and3A_82, %add3A_83, %rem3A_74 : i32
      %mul3A_85 = arith.constant 256 : i32
      %mul3A_86 = arith.muli %select_n3A_84, %mul3A_85 : i32
      %add3A_87 = arith.addi %mul3A_2, %mul3A_86 : i32
      %jit3A_88 = arith.constant 8 : i32
      %div3A_89 = arith.divsi %select_n3A, %jit3A_88 : i32
      %sign3A_90 = arith.constant 0 : i32
      %sign3A_91 = arith.cmpi sgt, %select_n3A, %sign3A_90 : i32
      %sign3A_92 = arith.extui %sign3A_91 : i1 to i32
      %sign3A_93 = arith.constant 0 : i32
      %sign3A_94 = arith.cmpi slt, %select_n3A, %sign3A_93 : i32
      %sign3A_95 = arith.extui %sign3A_94 : i1 to i32
      %sign3A_96 = arith.subi %sign3A_92, %sign3A_95 : i32
      %sign3A_97 = arith.constant 0 : i32
      %sign3A_98 = arith.cmpi sgt, %jit3A_88, %sign3A_97 : i32
      %sign3A_99 = arith.extui %sign3A_98 : i1 to i32
      %sign3A_100 = arith.constant 0 : i32
      %sign3A_101 = arith.cmpi slt, %jit3A_88, %sign3A_100 : i32
      %sign3A_102 = arith.extui %sign3A_101 : i1 to i32
      %sign3A_103 = arith.subi %sign3A_99, %sign3A_102 : i32
      %ne3A_104 = arith.cmpi ne, %sign3A_96, %sign3A_103 : i32
      %rem3A_105 = arith.remsi %select_n3A, %jit3A_88 : i32
      %ne3A_106 = arith.constant 0 : i32
      %ne3A_107 = arith.cmpi ne, %rem3A_105, %ne3A_106 : i32
      %and3A_108 = arith.andi %ne3A_104, %ne3A_107 : i1
      %sub3A_109 = arith.constant 1 : i32
      %sub3A_110 = arith.subi %div3A_89, %sub3A_109 : i32
      %select_n3A_111 = arith.select %and3A_108, %sub3A_110, %div3A_89 : i32
      %jit3A_112 = arith.constant 8 : i32
      %eq3A_113 = arith.constant 0 : i32
      %eq3A_114 = arith.cmpi eq, %jit3A_112, %eq3A_113 : i32
      %jit3A_115 = arith.constant 1 : i32
      %select_n3A_116 = arith.select %eq3A_114, %jit3A_115, %jit3A_112 : i32
      %rem3A_117 = arith.remsi %select_n3A, %select_n3A_116 : i32
      %ne3A_118 = arith.constant 0 : i32
      %ne3A_119 = arith.cmpi ne, %rem3A_117, %ne3A_118 : i32
      %lt3A_120 = arith.constant 0 : i32
      %lt3A_121 = arith.cmpi slt, %rem3A_117, %lt3A_120 : i32
      %lt3A_122 = arith.constant 0 : i32
      %lt3A_123 = arith.cmpi slt, %select_n3A_116, %lt3A_122 : i32
      %ne3A_124 = arith.xori %lt3A_121, %lt3A_123 : i1
      %and3A_125 = arith.andi %ne3A_124, %ne3A_119 : i1
      %add3A_126 = arith.addi %rem3A_117, %select_n3A_116 : i32
      %select_n3A_127 = arith.select %and3A_125, %add3A_126, %rem3A_117 : i32
      %run_scoped3A = arith.constant 0 : i32
      "tpu.region"() ({
        %run_scoped3A_238 = tpu.sem_alloc : memref<!tpu.dma_semaphore, #tpu.memory_space<semaphore_mem>>
        %dma_start3A_239 = arith.constant 0 : i32
        %dma_start3A_240 = arith.constant 0 : i32
        %dma_start3A_241 = tpu.memref_slice %arg6[%run_scoped3A, %dma_start3A_239, %dma_start3A_240] : memref<2x256x128xf32, #tpu.memory_space<vmem>> -> memref<1x256x128xf32, #tpu.memory_space<vmem>>
        %dma_start3A_242 = tpu.memref_squeeze %dma_start3A_241 : memref<1x256x128xf32, #tpu.memory_space<vmem>> -> memref<256x128xf32, #tpu.memory_space<vmem>>
        %dma_start3A_243 = arith.constant 0 : i32
        %dma_start3A_244 = tpu.memref_slice %arg4[%add3A_87, %select_n3A_111, %select_n3A_127, %dma_start3A_243] : memref<16384x7x8x128xf32, #tpu.memory_space<hbm>> -> memref<256x1x1x128xf32, #tpu.memory_space<hbm>>
        %dma_start3A_245 = tpu.memref_squeeze %dma_start3A_244 : memref<256x1x1x128xf32, #tpu.memory_space<hbm>> -> memref<256x128xf32, #tpu.memory_space<hbm>>
        %dma_start3A_246 = arith.constant 0 : i32
        %dma_start3A_247 = tpu.memref_slice %arg4[%add3A_87, %select_n3A_111, %select_n3A_127, %dma_start3A_246] : memref<16384x7x8x128xf32, #tpu.memory_space<hbm>> -> memref<256x1x1x128xf32, #tpu.memory_space<hbm>>
        %dma_start3A_248 = tpu.memref_squeeze %dma_start3A_247 : memref<256x1x1x128xf32, #tpu.memory_space<hbm>> -> memref<256x128xf32, #tpu.memory_space<hbm>>
        %dma_start3A_249 = arith.constant 0 : i32
        %dma_start3A_250 = arith.constant 0 : i32
        %dma_start3A_251 = tpu.memref_slice %arg6[%run_scoped3A, %dma_start3A_249, %dma_start3A_250] : memref<2x256x128xf32, #tpu.memory_space<vmem>> -> memref<1x256x128xf32, #tpu.memory_space<vmem>>
        %dma_start3A_252 = tpu.memref_squeeze %dma_start3A_251 : memref<1x256x128xf32, #tpu.memory_space<vmem>> -> memref<256x128xf32, #tpu.memory_space<vmem>>
        tpu.enqueue_dma source(%dma_start3A_252 : memref<256x128xf32, #tpu.memory_space<vmem>>) target(%dma_start3A_248 : memref<256x128xf32, #tpu.memory_space<hbm>>) target_semaphore(%run_scoped3A_238 : memref<!tpu.dma_semaphore, #tpu.memory_space<semaphore_mem>>)
        %dma_wait3A_253 = arith.constant 0 : i32
        %dma_wait3A_254 = arith.constant 0 : i32
        %dma_wait3A_255 = tpu.memref_slice %arg6[%run_scoped3A, %dma_wait3A_253, %dma_wait3A_254] : memref<2x256x128xf32, #tpu.memory_space<vmem>> -> memref<1x256x128xf32, #tpu.memory_space<vmem>>
        %dma_wait3A_256 = tpu.memref_squeeze %dma_wait3A_255 : memref<1x256x128xf32, #tpu.memory_space<vmem>> -> memref<256x128xf32, #tpu.memory_space<vmem>>
        %dma_wait3A_257 = arith.constant 0 : i32
        %dma_wait3A_258 = tpu.memref_slice %arg4[%add3A_87, %select_n3A_111, %select_n3A_127, %dma_wait3A_257] : memref<16384x7x8x128xf32, #tpu.memory_space<hbm>> -> memref<256x1x1x128xf32, #tpu.memory_space<hbm>>
        %dma_wait3A_259 = tpu.memref_squeeze %dma_wait3A_258 : memref<256x1x1x128xf32, #tpu.memory_space<hbm>> -> memref<256x128xf32, #tpu.memory_space<hbm>>
        %dma_wait3A_260 = arith.constant 0 : i32
        %dma_wait3A_261 = tpu.memref_slice %arg4[%add3A_87, %select_n3A_111, %select_n3A_127, %dma_wait3A_260] : memref<16384x7x8x128xf32, #tpu.memory_space<hbm>> -> memref<256x1x1x128xf32, #tpu.memory_space<hbm>>
        %dma_wait3A_262 = tpu.memref_squeeze %dma_wait3A_261 : memref<256x1x1x128xf32, #tpu.memory_space<hbm>> -> memref<256x128xf32, #tpu.memory_space<hbm>>
        %dma_wait3A_263 = arith.constant 0 : i32
        %dma_wait3A_264 = arith.constant 0 : i32
        %dma_wait3A_265 = tpu.memref_slice %arg6[%run_scoped3A, %dma_wait3A_263, %dma_wait3A_264] : memref<2x256x128xf32, #tpu.memory_space<vmem>> -> memref<1x256x128xf32, #tpu.memory_space<vmem>>
        %dma_wait3A_266 = tpu.memref_squeeze %dma_wait3A_265 : memref<1x256x128xf32, #tpu.memory_space<vmem>> -> memref<256x128xf32, #tpu.memory_space<vmem>>
        tpu.wait_dma2 semaphore(%run_scoped3A_238 : memref<!tpu.dma_semaphore, #tpu.memory_space<semaphore_mem>>) src(%dma_wait3A_266 : memref<256x128xf32, #tpu.memory_space<vmem>>) dst(%dma_wait3A_262 : memref<256x128xf32, #tpu.memory_space<hbm>>)
        tpu.yield
      }) : () -> ()
      %mul3A_128 = arith.constant 2 : i32
      %mul3A_129 = arith.muli %scan3A_31, %mul3A_128 : i32
      %add3A_130 = arith.constant 1 : i32
      %add3A_131 = arith.addi %mul3A_129, %add3A_130 : i32
      %add3A_132 = arith.constant 1 : i32
      %add3A_133 = arith.addi %add3A_131, %add3A_132 : i32
      %lt3A_134 = arith.constant 100 : i32
      %lt3A_135 = arith.cmpi slt, %add3A_133, %lt3A_134 : i32
      %convert_element_type3A_136 = arith.extui %lt3A_135 : i1 to i32
      %cond3A_137 = arith.constant 0 : i32
      %cond3A_138 = arith.cmpi ne, %convert_element_type3A_136, %cond3A_137 : i32
      scf.if %cond3A_138 {
        %add3A_238 = arith.constant 1 : i32
        %add3A_239 = arith.addi %add3A_131, %add3A_238 : i32
        %jit3A_240 = arith.constant 2 : i32
        %div3A_241 = arith.divsi %add3A_239, %jit3A_240 : i32
        %sign3A_242 = arith.constant 0 : i32
        %sign3A_243 = arith.cmpi sgt, %add3A_239, %sign3A_242 : i32
        %sign3A_244 = arith.extui %sign3A_243 : i1 to i32
        %sign3A_245 = arith.constant 0 : i32
        %sign3A_246 = arith.cmpi slt, %add3A_239, %sign3A_245 : i32
        %sign3A_247 = arith.extui %sign3A_246 : i1 to i32
        %sign3A_248 = arith.subi %sign3A_244, %sign3A_247 : i32
        %sign3A_249 = arith.constant 0 : i32
        %sign3A_250 = arith.cmpi sgt, %jit3A_240, %sign3A_249 : i32
        %sign3A_251 = arith.extui %sign3A_250 : i1 to i32
        %sign3A_252 = arith.constant 0 : i32
        %sign3A_253 = arith.cmpi slt, %jit3A_240, %sign3A_252 : i32
        %sign3A_254 = arith.extui %sign3A_253 : i1 to i32
        %sign3A_255 = arith.subi %sign3A_251, %sign3A_254 : i32
        %ne3A_256 = arith.cmpi ne, %sign3A_248, %sign3A_255 : i32
        %rem3A_257 = arith.remsi %add3A_239, %jit3A_240 : i32
        %ne3A_258 = arith.constant 0 : i32
        %ne3A_259 = arith.cmpi ne, %rem3A_257, %ne3A_258 : i32
        %and3A_260 = arith.andi %ne3A_256, %ne3A_259 : i1
        %sub3A_261 = arith.constant 1 : i32
        %sub3A_262 = arith.subi %div3A_241, %sub3A_261 : i32
        %select_n3A_263 = arith.select %and3A_260, %sub3A_262, %div3A_241 : i32
        %jit3A_264 = arith.constant 2 : i32
        %eq3A_265 = arith.constant 0 : i32
        %eq3A_266 = arith.cmpi eq, %jit3A_264, %eq3A_265 : i32
        %jit3A_267 = arith.constant 1 : i32
        %select_n3A_268 = arith.select %eq3A_266, %jit3A_267, %jit3A_264 : i32
        %rem3A_269 = arith.remsi %add3A_239, %select_n3A_268 : i32
        %ne3A_270 = arith.constant 0 : i32
        %ne3A_271 = arith.cmpi ne, %rem3A_269, %ne3A_270 : i32
        %lt3A_272 = arith.constant 0 : i32
        %lt3A_273 = arith.cmpi slt, %rem3A_269, %lt3A_272 : i32
        %lt3A_274 = arith.constant 0 : i32
        %lt3A_275 = arith.cmpi slt, %select_n3A_268, %lt3A_274 : i32
        %ne3A_276 = arith.xori %lt3A_273, %lt3A_275 : i1
        %and3A_277 = arith.andi %ne3A_276, %ne3A_271 : i1
        %add3A_278 = arith.addi %rem3A_269, %select_n3A_268 : i32
        %select_n3A_279 = arith.select %and3A_277, %add3A_278, %rem3A_269 : i32
        %mul3A_280 = arith.constant 256 : i32
        %mul3A_281 = arith.muli %select_n3A_279, %mul3A_280 : i32
        %add3A_282 = arith.constant 0 : i32
        %add3A_283 = arith.addi %mul3A_281, %add3A_282 : i32
        %dma_start3A_284 = arith.constant 0 : i32
        %dma_start3A_285 = arith.constant 0 : i32
        %dma_start3A_286 = arith.constant 0 : i32
        %dma_start3A_287 = tpu.memref_slice %arg6[%dma_start3A_284, %dma_start3A_285, %dma_start3A_286] : memref<2x256x128xf32, #tpu.memory_space<vmem>> -> memref<1x128x128xf32, #tpu.memory_space<vmem>>
        %dma_start3A_288 = tpu.memref_squeeze %dma_start3A_287 : memref<1x128x128xf32, #tpu.memory_space<vmem>> -> memref<128x128xf32, #tpu.memory_space<vmem>>
        %dma_start3A_289 = tpu.memref_slice %arg5[%select_n3A_263, %add3A_283] : memref<50x512xi32, #tpu.memory_space<vmem>> -> memref<1x128xi32, #tpu.memory_space<vmem>>
        %dma_start3A_290 = tpu.memref_squeeze %dma_start3A_289 : memref<1x128xi32, #tpu.memory_space<vmem>> -> memref<128xi32, #tpu.memory_space<vmem>>
        %dma_start3A_291 = arith.constant 0 : i32
        %dma_start3A_292 = arith.constant 0 : i32
        %dma_start3A_293 = tpu.memref_slice %arg3[%dma_start3A_291, %dma_start3A_292] : memref<1000000x128xf32, #tpu.memory_space<hbm>> -> memref<1000000x128xf32, #tpu.memory_space<hbm>>
        tpu.enqueue_indirect_dma source(%dma_start3A_293 : memref<1000000x128xf32, #tpu.memory_space<hbm>>) target(%dma_start3A_288 : memref<128x128xf32, #tpu.memory_space<vmem>>) offsets(%dma_start3A_290 : memref<128xi32, #tpu.memory_space<vmem>>) semaphore(%arg7 : memref<!tpu.dma_semaphore, #tpu.memory_space<semaphore_mem>>)
        %mul3A_294 = arith.constant 256 : i32
        %mul3A_295 = arith.muli %select_n3A_279, %mul3A_294 : i32
        %add3A_296 = arith.constant 128 : i32
        %add3A_297 = arith.addi %mul3A_295, %add3A_296 : i32
        %dma_start3A_298 = arith.constant 0 : i32
        %dma_start3A_299 = arith.constant 128 : i32
        %dma_start3A_300 = arith.constant 0 : i32
        %dma_start3A_301 = tpu.memref_slice %arg6[%dma_start3A_298, %dma_start3A_299, %dma_start3A_300] : memref<2x256x128xf32, #tpu.memory_space<vmem>> -> memref<1x128x128xf32, #tpu.memory_space<vmem>>
        %dma_start3A_302 = tpu.memref_squeeze %dma_start3A_301 : memref<1x128x128xf32, #tpu.memory_space<vmem>> -> memref<128x128xf32, #tpu.memory_space<vmem>>
        %dma_start3A_303 = tpu.memref_slice %arg5[%select_n3A_263, %add3A_297] : memref<50x512xi32, #tpu.memory_space<vmem>> -> memref<1x128xi32, #tpu.memory_space<vmem>>
        %dma_start3A_304 = tpu.memref_squeeze %dma_start3A_303 : memref<1x128xi32, #tpu.memory_space<vmem>> -> memref<128xi32, #tpu.memory_space<vmem>>
        %dma_start3A_305 = arith.constant 0 : i32
        %dma_start3A_306 = arith.constant 0 : i32
        %dma_start3A_307 = tpu.memref_slice %arg3[%dma_start3A_305, %dma_start3A_306] : memref<1000000x128xf32, #tpu.memory_space<hbm>> -> memref<1000000x128xf32, #tpu.memory_space<hbm>>
        tpu.enqueue_indirect_dma source(%dma_start3A_307 : memref<1000000x128xf32, #tpu.memory_space<hbm>>) target(%dma_start3A_302 : memref<128x128xf32, #tpu.memory_space<vmem>>) offsets(%dma_start3A_304 : memref<128xi32, #tpu.memory_space<vmem>>) semaphore(%arg7 : memref<!tpu.dma_semaphore, #tpu.memory_space<semaphore_mem>>)
      } else {
      }
      %dma_wait3A_139 = arith.constant 1 : i32
      %dma_wait3A_140 = arith.constant 0 : i32
      %dma_wait3A_141 = arith.constant 0 : i32
      %dma_wait3A_142 = tpu.memref_slice %arg6[%dma_wait3A_139, %dma_wait3A_140, %dma_wait3A_141] : memref<2x256x128xf32, #tpu.memory_space<vmem>> -> memref<1x256x128xf32, #tpu.memory_space<vmem>>
      %dma_wait3A_143 = tpu.memref_squeeze %dma_wait3A_142 : memref<1x256x128xf32, #tpu.memory_space<vmem>> -> memref<256x128xf32, #tpu.memory_space<vmem>>
      %dma_wait3A_144 = arith.constant 0 : i32
      %dma_wait3A_145 = arith.constant 0 : i32
      %dma_wait3A_146 = tpu.memref_slice %arg3[%dma_wait3A_144, %dma_wait3A_145] : memref<1000000x128xf32, #tpu.memory_space<hbm>> -> memref<256x128xf32, #tpu.memory_space<hbm>>
      %dma_wait3A_147 = arith.constant 0 : i32
      %dma_wait3A_148 = arith.constant 0 : i32
      %dma_wait3A_149 = tpu.memref_slice %arg6[%dma_wait3A_139, %dma_wait3A_147, %dma_wait3A_148] : memref<2x256x128xf32, #tpu.memory_space<vmem>> -> memref<1x256x128xf32, #tpu.memory_space<vmem>>
      %dma_wait3A_150 = tpu.memref_squeeze %dma_wait3A_149 : memref<1x256x128xf32, #tpu.memory_space<vmem>> -> memref<256x128xf32, #tpu.memory_space<vmem>>
      %dma_wait3A_151 = arith.constant 0 : i32
      %dma_wait3A_152 = arith.constant 0 : i32
      %dma_wait3A_153 = tpu.memref_slice %arg3[%dma_wait3A_151, %dma_wait3A_152] : memref<1000000x128xf32, #tpu.memory_space<hbm>> -> memref<256x128xf32, #tpu.memory_space<hbm>>
      tpu.wait_dma2 semaphore(%arg8 : memref<!tpu.dma_semaphore, #tpu.memory_space<semaphore_mem>>) src(%dma_wait3A_153 : memref<256x128xf32, #tpu.memory_space<hbm>>) dst(%dma_wait3A_150 : memref<256x128xf32, #tpu.memory_space<vmem>>)
      %jit3A_154 = arith.constant 2 : i32
      %div3A_155 = arith.divsi %add3A_131, %jit3A_154 : i32
      %sign3A_156 = arith.constant 0 : i32
      %sign3A_157 = arith.cmpi sgt, %add3A_131, %sign3A_156 : i32
      %sign3A_158 = arith.extui %sign3A_157 : i1 to i32
      %sign3A_159 = arith.constant 0 : i32
      %sign3A_160 = arith.cmpi slt, %add3A_131, %sign3A_159 : i32
      %sign3A_161 = arith.extui %sign3A_160 : i1 to i32
      %sign3A_162 = arith.subi %sign3A_158, %sign3A_161 : i32
      %sign3A_163 = arith.constant 0 : i32
      %sign3A_164 = arith.cmpi sgt, %jit3A_154, %sign3A_163 : i32
      %sign3A_165 = arith.extui %sign3A_164 : i1 to i32
      %sign3A_166 = arith.constant 0 : i32
      %sign3A_167 = arith.cmpi slt, %jit3A_154, %sign3A_166 : i32
      %sign3A_168 = arith.extui %sign3A_167 : i1 to i32
      %sign3A_169 = arith.subi %sign3A_165, %sign3A_168 : i32
      %ne3A_170 = arith.cmpi ne, %sign3A_162, %sign3A_169 : i32
      %rem3A_171 = arith.remsi %add3A_131, %jit3A_154 : i32
      %ne3A_172 = arith.constant 0 : i32
      %ne3A_173 = arith.cmpi ne, %rem3A_171, %ne3A_172 : i32
      %and3A_174 = arith.andi %ne3A_170, %ne3A_173 : i1
      %sub3A_175 = arith.constant 1 : i32
      %sub3A_176 = arith.subi %div3A_155, %sub3A_175 : i32
      %select_n3A_177 = arith.select %and3A_174, %sub3A_176, %div3A_155 : i32
      %jit3A_178 = arith.constant 2 : i32
      %eq3A_179 = arith.constant 0 : i32
      %eq3A_180 = arith.cmpi eq, %jit3A_178, %eq3A_179 : i32
      %jit3A_181 = arith.constant 1 : i32
      %select_n3A_182 = arith.select %eq3A_180, %jit3A_181, %jit3A_178 : i32
      %rem3A_183 = arith.remsi %add3A_131, %select_n3A_182 : i32
      %ne3A_184 = arith.constant 0 : i32
      %ne3A_185 = arith.cmpi ne, %rem3A_183, %ne3A_184 : i32
      %lt3A_186 = arith.constant 0 : i32
      %lt3A_187 = arith.cmpi slt, %rem3A_183, %lt3A_186 : i32
      %lt3A_188 = arith.constant 0 : i32
      %lt3A_189 = arith.cmpi slt, %select_n3A_182, %lt3A_188 : i32
      %ne3A_190 = arith.xori %lt3A_187, %lt3A_189 : i1
      %and3A_191 = arith.andi %ne3A_190, %ne3A_185 : i1
      %add3A_192 = arith.addi %rem3A_183, %select_n3A_182 : i32
      %select_n3A_193 = arith.select %and3A_191, %add3A_192, %rem3A_183 : i32
      %mul3A_194 = arith.constant 256 : i32
      %mul3A_195 = arith.muli %select_n3A_193, %mul3A_194 : i32
      %add3A_196 = arith.addi %mul3A_2, %mul3A_195 : i32
      %jit3A_197 = arith.constant 8 : i32
      %div3A_198 = arith.divsi %select_n3A_177, %jit3A_197 : i32
      %sign3A_199 = arith.constant 0 : i32
      %sign3A_200 = arith.cmpi sgt, %select_n3A_177, %sign3A_199 : i32
      %sign3A_201 = arith.extui %sign3A_200 : i1 to i32
      %sign3A_202 = arith.constant 0 : i32
      %sign3A_203 = arith.cmpi slt, %select_n3A_177, %sign3A_202 : i32
      %sign3A_204 = arith.extui %sign3A_203 : i1 to i32
      %sign3A_205 = arith.subi %sign3A_201, %sign3A_204 : i32
      %sign3A_206 = arith.constant 0 : i32
      %sign3A_207 = arith.cmpi sgt, %jit3A_197, %sign3A_206 : i32
      %sign3A_208 = arith.extui %sign3A_207 : i1 to i32
      %sign3A_209 = arith.constant 0 : i32
      %sign3A_210 = arith.cmpi slt, %jit3A_197, %sign3A_209 : i32
      %sign3A_211 = arith.extui %sign3A_210 : i1 to i32
      %sign3A_212 = arith.subi %sign3A_208, %sign3A_211 : i32
      %ne3A_213 = arith.cmpi ne, %sign3A_205, %sign3A_212 : i32
      %rem3A_214 = arith.remsi %select_n3A_177, %jit3A_197 : i32
      %ne3A_215 = arith.constant 0 : i32
      %ne3A_216 = arith.cmpi ne, %rem3A_214, %ne3A_215 : i32
      %and3A_217 = arith.andi %ne3A_213, %ne3A_216 : i1
      %sub3A_218 = arith.constant 1 : i32
      %sub3A_219 = arith.subi %div3A_198, %sub3A_218 : i32
      %select_n3A_220 = arith.select %and3A_217, %sub3A_219, %div3A_198 : i32
      %jit3A_221 = arith.constant 8 : i32
      %eq3A_222 = arith.constant 0 : i32
      %eq3A_223 = arith.cmpi eq, %jit3A_221, %eq3A_222 : i32
      %jit3A_224 = arith.constant 1 : i32
      %select_n3A_225 = arith.select %eq3A_223, %jit3A_224, %jit3A_221 : i32
      %rem3A_226 = arith.remsi %select_n3A_177, %select_n3A_225 : i32
      %ne3A_227 = arith.constant 0 : i32
      %ne3A_228 = arith.cmpi ne, %rem3A_226, %ne3A_227 : i32
      %lt3A_229 = arith.constant 0 : i32
      %lt3A_230 = arith.cmpi slt, %rem3A_226, %lt3A_229 : i32
      %lt3A_231 = arith.constant 0 : i32
      %lt3A_232 = arith.cmpi slt, %select_n3A_225, %lt3A_231 : i32
      %ne3A_233 = arith.xori %lt3A_230, %lt3A_232 : i1
      %and3A_234 = arith.andi %ne3A_233, %ne3A_228 : i1
      %add3A_235 = arith.addi %rem3A_226, %select_n3A_225 : i32
      %select_n3A_236 = arith.select %and3A_234, %add3A_235, %rem3A_226 : i32
      %run_scoped3A_237 = arith.constant 1 : i32
      "tpu.region"() ({
        %run_scoped3A_238 = tpu.sem_alloc : memref<!tpu.dma_semaphore, #tpu.memory_space<semaphore_mem>>
        %dma_start3A_239 = arith.constant 0 : i32
        %dma_start3A_240 = arith.constant 0 : i32
        %dma_start3A_241 = tpu.memref_slice %arg6[%run_scoped3A_237, %dma_start3A_239, %dma_start3A_240] : memref<2x256x128xf32, #tpu.memory_space<vmem>> -> memref<1x256x128xf32, #tpu.memory_space<vmem>>
        %dma_start3A_242 = tpu.memref_squeeze %dma_start3A_241 : memref<1x256x128xf32, #tpu.memory_space<vmem>> -> memref<256x128xf32, #tpu.memory_space<vmem>>
        %dma_start3A_243 = arith.constant 0 : i32
        %dma_start3A_244 = tpu.memref_slice %arg4[%add3A_196, %select_n3A_220, %select_n3A_236, %dma_start3A_243] : memref<16384x7x8x128xf32, #tpu.memory_space<hbm>> -> memref<256x1x1x128xf32, #tpu.memory_space<hbm>>
        %dma_start3A_245 = tpu.memref_squeeze %dma_start3A_244 : memref<256x1x1x128xf32, #tpu.memory_space<hbm>> -> memref<256x128xf32, #tpu.memory_space<hbm>>
        %dma_start3A_246 = arith.constant 0 : i32
        %dma_start3A_247 = tpu.memref_slice %arg4[%add3A_196, %select_n3A_220, %select_n3A_236, %dma_start3A_246] : memref<16384x7x8x128xf32, #tpu.memory_space<hbm>> -> memref<256x1x1x128xf32, #tpu.memory_space<hbm>>
        %dma_start3A_248 = tpu.memref_squeeze %dma_start3A_247 : memref<256x1x1x128xf32, #tpu.memory_space<hbm>> -> memref<256x128xf32, #tpu.memory_space<hbm>>
        %dma_start3A_249 = arith.constant 0 : i32
        %dma_start3A_250 = arith.constant 0 : i32
        %dma_start3A_251 = tpu.memref_slice %arg6[%run_scoped3A_237, %dma_start3A_249, %dma_start3A_250] : memref<2x256x128xf32, #tpu.memory_space<vmem>> -> memref<1x256x128xf32, #tpu.memory_space<vmem>>
        %dma_start3A_252 = tpu.memref_squeeze %dma_start3A_251 : memref<1x256x128xf32, #tpu.memory_space<vmem>> -> memref<256x128xf32, #tpu.memory_space<vmem>>
        tpu.enqueue_dma source(%dma_start3A_252 : memref<256x128xf32, #tpu.memory_space<vmem>>) target(%dma_start3A_248 : memref<256x128xf32, #tpu.memory_space<hbm>>) target_semaphore(%run_scoped3A_238 : memref<!tpu.dma_semaphore, #tpu.memory_space<semaphore_mem>>)
        %dma_wait3A_253 = arith.constant 0 : i32
        %dma_wait3A_254 = arith.constant 0 : i32
        %dma_wait3A_255 = tpu.memref_slice %arg6[%run_scoped3A_237, %dma_wait3A_253, %dma_wait3A_254] : memref<2x256x128xf32, #tpu.memory_space<vmem>> -> memref<1x256x128xf32, #tpu.memory_space<vmem>>
        %dma_wait3A_256 = tpu.memref_squeeze %dma_wait3A_255 : memref<1x256x128xf32, #tpu.memory_space<vmem>> -> memref<256x128xf32, #tpu.memory_space<vmem>>
        %dma_wait3A_257 = arith.constant 0 : i32
        %dma_wait3A_258 = tpu.memref_slice %arg4[%add3A_196, %select_n3A_220, %select_n3A_236, %dma_wait3A_257] : memref<16384x7x8x128xf32, #tpu.memory_space<hbm>> -> memref<256x1x1x128xf32, #tpu.memory_space<hbm>>
        %dma_wait3A_259 = tpu.memref_squeeze %dma_wait3A_258 : memref<256x1x1x128xf32, #tpu.memory_space<hbm>> -> memref<256x128xf32, #tpu.memory_space<hbm>>
        %dma_wait3A_260 = arith.constant 0 : i32
        %dma_wait3A_261 = tpu.memref_slice %arg4[%add3A_196, %select_n3A_220, %select_n3A_236, %dma_wait3A_260] : memref<16384x7x8x128xf32, #tpu.memory_space<hbm>> -> memref<256x1x1x128xf32, #tpu.memory_space<hbm>>
        %dma_wait3A_262 = tpu.memref_squeeze %dma_wait3A_261 : memref<256x1x1x128xf32, #tpu.memory_space<hbm>> -> memref<256x128xf32, #tpu.memory_space<hbm>>
        %dma_wait3A_263 = arith.constant 0 : i32
        %dma_wait3A_264 = arith.constant 0 : i32
        %dma_wait3A_265 = tpu.memref_slice %arg6[%run_scoped3A_237, %dma_wait3A_263, %dma_wait3A_264] : memref<2x256x128xf32, #tpu.memory_space<vmem>> -> memref<1x256x128xf32, #tpu.memory_space<vmem>>
        %dma_wait3A_266 = tpu.memref_squeeze %dma_wait3A_265 : memref<1x256x128xf32, #tpu.memory_space<vmem>> -> memref<256x128xf32, #tpu.memory_space<vmem>>
        tpu.wait_dma2 semaphore(%run_scoped3A_238 : memref<!tpu.dma_semaphore, #tpu.memory_space<semaphore_mem>>) src(%dma_wait3A_266 : memref<256x128xf32, #tpu.memory_space<vmem>>) dst(%dma_wait3A_262 : memref<256x128xf32, #tpu.memory_space<hbm>>)
        tpu.yield
      }) : () -> ()
    }
    %scan3A_30 = arith.constant 50 : i32
    return
  }
}

</mosaic_0001>

<sc_bundles>
// kernel: kernel.3.cloned.1.call-start
scs
__scs_entry_jumppad:
0x0: {  	(pc) =	sbr.rel $0x88, $3  }
0x1: {  	(tag) =	ssettag $0x0;
	lr =	simm.s32 $0x1  }
0x2: {  	[smem:$0x3F9F] =	sst lr;
	_ =	strace $0xD0000000  }
0x3: {  	_ = 	snop  }
0x4: {  	_ = 	snop  }
0x5: {  	_ = 	snop  }
0x6: {  	_ = 	snop  }
0x7: {  	_ = 	snop  }
__scs_overlays_trampoline_lowered:
0x8: {  	[smem:$0x3FAE] =	sst s0  }
0x9: {  	[smem:$0x3FAF] =	sst s1  }
0xa: {  	[smem:$0x3FB0] =	sst s2  }
0xb: {  	[smem:$0x3FB1] =	sst s3  }
0xc: {  	[smem:$0x3FB2] =	sst s4  }
0xd: {  	[smem:$0x3FB3] =	sst s5  }
0xe: {  	[smem:$0x3FB4] =	sst s6  }
0xf: {  	[smem:$0x3FB5] =	sst s7  }
0x10: {  	[smem:$0x3FB6] =	sst s8  }
0x11: {  	[smem:$0x3FB7] =	sst s9;
	s0 =	simm.s32 @!p0 $0x0  }
0x12: {  	s1 =	sld [smem:$0x3F9D];
	s0 =	simm.s32 @p0 $0x1  }
0x13: {  	[smem:$0x3FB8] =	sst s0;
	s0 =	simm.s32 @!p1 $0x0  }
0x14: {  	s2 =	sld [smem:$0x3F9C];
	s0 =	simm.s32 @p1 $0x1  }
0x15: {  	[smem:$0x3FB9] =	sst s0;
	s0 =	simm.s32 @!p2 $0x0  }
0x16: {  	s3 =	sld [smem:$0x3FDB];
	s0 =	simm.s32 @p2 $0x1  }
0x17: {  	s4 =	simm.s32 $0x1BF5;
	[smem:$0x3FBB] =	sst s0  }
0x18: {  	s0 =	sld [smem:$0x3F9E];
	_ =	swait.ge [sflag:s4], $0x0  }
0x19: {  	s7 =	sld [smem:$0x3F9F]  }
0x1a: {  	s8 =	sadd.s32 $0xFFFFE003, lr  }
0x1b: {  	s9 =	sadd.s32 $0xFFFFFEF7, lr;
	s5 =	simm.s32 $0xFFFFFFFF;
	p2 =	slt.u32 s8, $0xFFFFF086  }
0x1c: {  	p1 =	slt.u32 s9, $0xF7A;
	s5 =	simm.s32 @!p2 $0x0  }
0x1d: {  	s5 =	simm.s32 @p1 $0x1;
	p0 =	seq.s32 s7, s2  }
0x1e: {  	s7 =	smul.u32 @!p0 $0xF7A, s2;
	p2 =	seq.s32 @!p0 s5, $0x0  }
0x1f: {  	s9 =	smul.u32 $0xF7A, s1;
	s8 =	simm.s32 @!p0 $0x1BF5;
	p2 =	por !p2, p0  }
0x20: {  	[sflag:s8] =	ssyncset.s32 @!p0 $0xFFFFF086;
	s6 =	sadd.s32 @!p0 s3, s7;
	s7 =	simm.s32 @!p0 $0x108  }
0x21: {  	s3 =	sadd.s32 s3, s9;
	s6 =	sadd.s32 @!p0 $0x88, s6;
	s7 =	simm.s32 @p2 $0x1082  }
0x22: {  	[simem:s7], [sflag:s8] =	dma.local @!p0 [hbm:s6], $0xF7A  }
0x23: {  	s9 =	sor.u32 $0xD0000000, s2;
	s6 =	simm.s32 $0x108;
	_ =	swait.ge @!p0 [sflag:s8], $0x0  }
0x24: {  	s3 =	sadd.s32 $0x88, s3;
	s6 =	simm.s32 @!p1 $0x1082;
	[sflag:s4] =	ssyncset.s32 $0xFFFFF086  }
0x25: {  	[simem:s6], [sflag:s4] =	dma.local [hbm:s3], $0xF7A  }
0x26: {  	[smem:$0x3F9F] =	sst s1;
	(tag) =	ssettag s2;
	_ =	strace s9  }
0x27: {  	s1 =	sld [smem:$0x3FAF]  }
0x28: {  	s2 =	sld [smem:$0x3FB0]  }
0x29: {  	s4 =	sld [smem:$0x3FB2]  }
0x2a: {  	p0 =	seq.s32 s5, $0x0;
	s5 =	sld [smem:$0x3FB3]  }
0x2b: {  	s6 =	sld [smem:$0x3FB4]  }
0x2c: {  	s7 =	sld [smem:$0x3FB5]  }
0x2d: {  	s3 =	simm.s32 $0x108;
	s8 =	sld [smem:$0x3FB6]  }
0x2e: {  	s3 =	simm.s32 @!p0 $0x1082;
	s9 =	sld [smem:$0x3FB7]  }
0x2f: {  	lr =	sadd.s32 s0, s3;
	s0 =	sld [smem:$0x3FAE]  }
0x30: {  	s3 =	sld [smem:$0x3FB1]  }
0x31: {  	[smem:$0x3FBA] =	sst s10  }
0x32: {  	s10 =	sld [smem:$0x3FB8];
	_ =	sdelay $0x3  }
0x33: {  	p0 =	seq.s32 s10, $0x1;
	s10 =	sld [smem:$0x3FBA];
	_ =	sdelay $0x3  }
0x34: {  	[smem:$0x3FBA] =	sst s10  }
0x35: {  	s10 =	sld [smem:$0x3FB9];
	_ =	sdelay $0x3  }
0x36: {  	p1 =	seq.s32 s10, $0x1;
	s10 =	sld [smem:$0x3FBA];
	_ =	sdelay $0x3  }
0x37: {  	[smem:$0x3FBA] =	sst s10  }
0x38: {  	s10 =	sld [smem:$0x3FBB]  }
0x39: {  	_ = 	snop;
	(pc) =	sbr.ind lr, $3  }
0x3a: {  	_ = 	snop  }
0x3b: {  	_ = 	snop  }
0x3c: {  	p2 =	seq.s32 s10, $0x1;
	s10 =	sld [smem:$0x3FBA]  }
0x3d: {  	_ =	shalt  }
0x3e: {  	_ =	shalt  }
0x3f: {  	_ =	shalt  }
0x40: {  	_ =	shalt  }
0x41: {  	_ =	shalt  }
0x42: {  	_ =	shalt  }
0x43: {  	_ =	shalt  }
0x44: {  	_ =	shalt  }
0x45: {  	_ =	shalt  }
0x46: {  	_ =	shalt  }
0x47: {  	_ =	shalt  }
0x48: {  	_ =	shalt  }
0x49: {  	_ =	shalt  }
0x4a: {  	_ =	shalt  }
0x4b: {  	_ =	shalt  }
0x4c: {  	_ =	shalt  }
0x4d: {  	_ =	shalt  }
0x4e: {  	_ =	shalt  }
0x4f: {  	_ =	shalt  }
0x50: {  	_ =	shalt  }
0x51: {  	_ =	shalt  }
0x52: {  	_ =	shalt  }
0x53: {  	_ =	shalt  }
0x54: {  	_ =	shalt  }
0x55: {  	_ =	shalt  }
0x56: {  	_ =	shalt  }
0x57: {  	_ =	shalt  }
0x58: {  	_ =	shalt  }
0x59: {  	_ =	shalt  }
0x5a: {  	_ =	shalt  }
0x5b: {  	_ =	shalt  }
0x5c: {  	_ =	shalt  }
0x5d: {  	_ =	shalt  }
0x5e: {  	_ =	shalt  }
0x5f: {  	_ =	shalt  }
0x60: {  	_ =	shalt  }
0x61: {  	_ =	shalt  }
0x62: {  	_ =	shalt  }
0x63: {  	_ =	shalt  }
0x64: {  	_ =	shalt  }
0x65: {  	_ =	shalt  }
0x66: {  	_ =	shalt  }
0x67: {  	_ =	shalt  }
0x68: {  	_ =	shalt  }
0x69: {  	_ =	shalt  }
0x6a: {  	_ =	shalt  }
0x6b: {  	_ =	shalt  }
0x6c: {  	_ =	shalt  }
0x6d: {  	_ =	shalt  }
0x6e: {  	_ =	shalt  }
0x6f: {  	_ =	shalt  }
0x70: {  	_ =	shalt  }
0x71: {  	_ =	shalt  }
0x72: {  	_ =	shalt  }
0x73: {  	_ =	shalt  }
0x74: {  	_ =	shalt  }
0x75: {  	_ =	shalt  }
0x76: {  	_ =	shalt  }
0x77: {  	_ =	shalt  }
0x78: {  	_ =	shalt  }
0x79: {  	_ =	shalt  }
0x7a: {  	_ =	shalt  }
0x7b: {  	_ =	shalt  }
0x7c: {  	_ =	shalt  }
0x7d: {  	_ =	shalt  }
0x7e: {  	_ =	shalt  }
0x7f: {  	_ =	shalt  }
0x80: {  	_ =	shalt  }
0x81: {  	_ =	shalt  }
0x82: {  	_ =	shalt  }
0x83: {  	_ =	shalt  }
0x84: {  	_ =	shalt  }
0x85: {  	_ =	shalt  }
0x86: {  	_ =	shalt  }
0x87: {  	_ =	shalt  }
.Lfunc_end0:
.L_simem_size_0:
called_computation.1_lowered:
.L_overlay_start_0:
0x88: {  	s2 =	sld [smem:$0x3FD9]  }
0x89: {  	s3 =	sld [smem:$0x3FFE];
	_ =	sdelay $0x1  }
0x8a: {  	s1 =	srdreg.scid  }
0x8b: {  	s0 =	sand.u32 $0x1, s1  }
0x8c: {  	s17 =	sshll.u32 s0, $0xA;
	s2 =	sadd.s32 s3, s2  }
0x8d: {  	s2 =	sadd.s32 s2, s17  }
0x8e: {  	[smem:$0x3FC6] =	sst s2  }
0x8f: {  	_ = 	snop  }
0x90: {  	s2 =	sld [smem:$0x3FD0];
	(tm) =	ssettm $0x1  }
0x91: {  	s18 =	sld [smem:$0x3FFB];
	_ =	sdelay $0x3  }
0x92: {  	_ =	strace s18  }
0x93: {  	s3 =	sld [smem:$0x3FFC];
	_ =	sdelay $0x3  }
0x94: {  	_ =	strace s3  }
0x95: {  	s3 =	sld [smem:$0x3FFD];
	_ =	sdelay $0x3  }
0x96: {  	_ =	strace s3  }
0x97: {  	_ =	strace $0x8FFFFFFF  }
0x98: {  	s19 =	sld [smem:$0x3FDB];
	_ =	sdelay $0x1  }
0x99: {  	s4 =	simm.s32 $_scs_section_size  }
0x9a: {  	s5 =	simm.s32 $_size__tile_overlayer_lowered;
	s6 =	simm.s32 $_tile_overlayer_lowered  }
0x9b: {  	s22 =	simm.s32 $0x1BFF;
	s21 =	sshll.u32 s6, $0x1;
	s3 =	sadd.s32 s4, s19  }
0x9c: {  	s7 =	simm.s32 $0x0;
	s20 =	sshll.u32 s5, $0x1;
	s5 =	sadd.s32 s21, s3  }
0x9d: {  	[timem:s7], [sflag:s22] =	dma.local [hbm:s5], s20  }
0x9e: {  	_ =	swait.ge [sflag:s22], s20  }
0x9f: {  	s4 =	ssub.s32 $0x0, s20;
	[sflag:s22] =	ssyncset.done $0x0  }
0xa0: {  	[sflag:s22] =	ssyncadd.s32 s4;
	_ =	sdelay $0x1  }
0xa1: {  	s23 =	simm.s32 $0x1B8B  }
0xa2: {  	_ =	swait.ge [sflag:s23], $0x1  }
0xa3: {  	[sflag:s23] =	ssyncset.done $0x0  }
0xa4: {  	s25 =	simm.s32 $0x1B8E;
	s24 =	sld [smem:$0x3FFE];
	[sflag:s23] =	ssyncadd.s32 $0xFFFFFFFF  }
0xa5: {  	s26 =	simm.s32 $execute0_lowered;
	[smem:$0x3FD2] =	sst s25  }
0xa6: {  	s5 =	sshll.u32 s26, $0x1;
	_ =	strace $0x80000046;
	[dreg:$0x1] =	wrdreg $0xFFFFFFFF  }
0xa7: {  	s28 =	simm.s32 $_size_execute0_lowered;
	s3 =	sadd.s32 s3, s5;
	[dreg:$0x0] =	wrdreg $0x0  }
0xa8: {  	s5 =	sshll.u32 s28, $0x1;
	[dreg:$0x2] =	wrdreg s3  }
0xa9: {  	[dreg:$0x3] =	wrdreg s5  }
0xaa: {  	[dreg:$0x4] =	wrdreg $0xC0  }
0xab: {  	_ =	task [dreg:s7], $0x5FFFF  }
0xac: {  	[dreg:$0x1] =	wrdreg $0xFFFFFFFF  }
0xad: {  	[dreg:$0x0] =	wrdreg $0x60  }
0xae: {  	[dreg:$0x2] =	wrdreg s2  }
0xaf: {  	[dreg:$0x3] =	wrdreg s24  }
0xb0: {  	[dreg:$0x4] =	wrdreg $0x9  }
0xb1: {  	_ =	task.clear_ibuf [dreg:s7], $0x5FFFF;
	_ =	strace $0x90000046  }
0xb2: {  	s29 =	simm.s32 $0x9;
	_ =	strace $0x80000048  }
0xb3: {  	_ =	swait.ge [sflag:s29], $0x1  }
0xb4: {  	[sflag:s29] =	ssyncadd.s32 $0xFFFFFFFF  }
0xb5: {  	_ =	strace $0x90000048  }
0xb6: {  	_ =	sfence  }
0xb7: {  	s30 =	sld [smem:$0x0];
	_ =	sdelay $0x2  }
0xb8: {  	s31 =	sshll.u32 s1, $0xD;
	s1 =	sshrl.u32 s1, $0x2  }
0xb9: {  	s3 =	sand.u32 $0x4000, s31;
	s1 =	sadd.s32 s1, s30  }
0xba: {  	s0 =	sor.u32 s3, s0;
	s1 =	sshll.u32 s1, $0x11  }
0xbb: {  	s0 =	sor.u32 s1, s0  }
0xbc: {  	s0 =	sadd.s32 $0x8F2B, s0  }
0xbd: {  	[sflag:s0] =	ssyncadd.remote.s32 $0x1  }
0xbe: {  	_ =	sfence.sel $0xFFFF  }
0xbf: {  	[dreg:$0x0] =	wrdreg $0xFFFFFFFF;
	(pc) =	sbr.abs _section_cstart, $3  }
0xc0: {  	[dreg:$0x1] =	wrdreg $0xFFFFFFFF  }
0xc1: {  	_ =	task.clear_ibuf [dreg:s7], $0x2FFFF;
	_ =	strace $0x9FFFFFFF  }
0xc2: {  	(tm) =	ssettm $0x7FFFFFFF  }
0xc3: {  	_ =	shalt  }
tec
execute0_lowered:
.L_overlay_start_1:
0x0: {  	(tag) =	ssettag $0x1  }
0x1: {  	s1 =	srdreg.scid;
	s4 =	rddreg [dreg:$0x0]  }
0x2: {  	s0 =	stileid.u32;
	s5 =	rddreg [dreg:$0x1];
	s13 =	simm.s32 $0x80  }
0x3: {  	s14 =	simm.s32 $0x6400;
	s15 =	simm.s32 $0xA400;
	s16 =	simm.s32 $0xE400  }
0x4: {  	s17 =	simm.s32 $0x12400;
	s18 =	simm.s32 $0x1;
	s19 =	simm.s32 $0x1C00  }
0x5: {  	s20 =	simm.s32 $0x2;
	s21 =	simm.s32 $0x6300;
	s22 =	simm.s32 $0x6380  }
0x6: {  	s23 =	simm.s32 $0x0;
	s3 =	sand.u32 $0x1, s1;
	s29 =	sshll.u32 s0, $0xA  }
0x7: {  	s1 =	rddreg [dreg:$0x2];
	s9 =	smul.u32 $0x700000, s0;
	s12 =	sadd.s32 $0xA00, s5  }
0x8: {  	s2 =	sshll.u32 s3, $0x9;
	s8 =	ssub.s32 $0x2, s3;
	s11 =	smul.u32 $0x380000, s3  }
0x9: {  	s3 =	sadd.s32 $0xF42E00, s5;
	s6 =	sor.u32 s2, s29;
	s2 =	simm.s32 $0x0  }
0xa: {  	s10 =	sshrl.u32 s8, $0x1;
	s7 =	smul.u32 $0x1C00, s6;
	[smem:$0x7FF] =	sst s2  }
0xb: {  	s30 =	ssub.s32 s8, s10;
	s6 =	sshrl.u32 s6, $0x3;
	s9 =	sadd.s32 s11, s9  }
0xc: {  	s10 =	simm.s32 $0x200;
	s11 =	simm.s32 $0x4000;
	_ =	strace $0x80000047  }
0xd: {  	s4 =	sadd.s32 s4, s6;
	s31 =	sadd.s32 $0x1C0000, s9;
	s5 =	smax.u32 s30, $0x1  }
0xe: {  	s9 =	sshrl.u32 s9, $0x3;
	s7 =	sshrl.u32 s7, $0x3;
	s8 =	sshrl.u32 s31, $0x3  }
0xf: {  	s9 =	sadd.s32 s9, s12;
	s7 =	sadd.s32 s12, s7;
	s8 =	sadd.s32 s8, s12  }
0x10: {  	s12 =	simm.s32 $0x3;
	s6 =	sadd.s32 $0x310, s7;
	s7 =	sadd.s32 $0x38310, s7  }
.LBB2_1:
0x11: {  	[tilespmem:s2], [sflag:$0x3] =	stream.strided.gather [hbm4b:s4+s10], $0x6400, s11, s10, $0x38;
	[tilespmem:$0x16400] =	vst v63  }
0x12: {  	_ =	swait.ge [sflag:s12], $0x6400  }
0x13: {  	[sflag:s12] =	ssyncset.done $0x0  }
0x14: {  	[sflag:s12] =	ssyncadd.s32 $0xFFFF9C00  }
0x15: {  	[tilespmem:s14], [sflag:$0x1] =	stream.indirect.gather [hbm4b:s3+s13], $0x80, s2, s13, $0xb8;
	[tilespmem:$0x16400] =	vst v63  }
0x16: {  	_ = 	snop  }
0x17: {  	[tilespmem:s15], [sflag:$0x1] =	stream.indirect.gather [hbm4b:s3+s13], $0x80, s13, s13, $0xb8;
	[tilespmem:$0x16400] =	vst v63  }
0x18: {  	s24 =	simm.s32 $0x100  }
0x19: {  	[tilespmem:s16], [sflag:$0x2] =	stream.indirect.gather [hbm4b:s3+s13], $0x80, s24, s13, $0xb8;
	[tilespmem:$0x16400] =	vst v63  }
0x1a: {  	s29 =	simm.s32 $0x180  }
0x1b: {  	[tilespmem:s17], [sflag:$0x2] =	stream.indirect.gather [hbm4b:s3+s13], $0x80, s29, s13, $0xb8;
	[tilespmem:$0x16400] =	vst v63  }
0x1c: {  	_ =	swait.ge [sflag:s18], $0x8000  }
0x1d: {  	[sflag:s18] =	ssyncset.done $0x0  }
0x1e: {  	[sflag:s18] =	ssyncadd.s32 $0xFFFF8000  }
0x1f: {  	[hbm4b:s9+s13] =	stream.strided.scatter [tilespmem:s14], [sflag:$0x3], $0x8000, s19, s13, $0x38;
	[tilespmem:$0x16400] =	vst v63  }
0x20: {  	_ =	swait.ge [sflag:s12], $0x8000  }
0x21: {  	[sflag:s12] =	ssyncset.done $0x0  }
0x22: {  	s30 =	simm.s32 $0x200;
	[sflag:s12] =	ssyncadd.s32 $0xFFFF8000  }
0x23: {  	[tilespmem:s14], [sflag:$0x1] =	stream.indirect.gather [hbm4b:s3+s13], $0x80, s30, s13, $0xb8;
	[tilespmem:$0x16400] =	vst v63  }
0x24: {  	s31 =	simm.s32 $0x280  }
0x25: {  	[tilespmem:s15], [sflag:$0x1] =	stream.indirect.gather [hbm4b:s3+s13], $0x80, s31, s13, $0xb8;
	[tilespmem:$0x16400] =	vst v63  }
0x26: {  	_ =	swait.ge [sflag:s20], $0x8000  }
0x27: {  	[sflag:s20] =	ssyncset.done $0x0  }
0x28: {  	[sflag:s20] =	ssyncadd.s32 $0xFFFF8000  }
0x29: {  	[hbm4b:s8+s13] =	stream.strided.scatter [tilespmem:s16], [sflag:$0x3], $0x8000, s19, s13, $0x38;
	[tilespmem:$0x16400] =	vst v63  }
0x2a: {  	s28 =	simm.s32 $0x1000;
	s25 =	sadd.s32 $0x10, s9;
	_ =	swait.ge [sflag:s12], $0x8000  }
0x2b: {  	s26 =	simm.s32 $0x200;
	s24 =	sadd.s32 $0x10, s8;
	[sflag:s12] =	ssyncset.done $0x0  }
.LBB2_2:
0x2c: {  	s29 =	sadd.s32 $0x100, s26  }
0x2d: {  	[sflag:s12] =	ssyncadd.s32 $0xFFFF8000;
	s30 =	smov.u32 s28;
	s31 =	sadd.s32 $0x800, s28  }
0x2e: {  	[tilespmem:s16], [sflag:$0x2] =	stream.indirect.gather [hbm4b:s3+s13], $0x80, s29, s13, $0xb8;
	[tilespmem:$0x16400] =	vst v63  }
0x2f: {  	p0 =	sne.s32 s28, $0x18000;
	s28 =	sadd.s32 $0x180, s26  }
0x30: {  	[tilespmem:s17], [sflag:$0x2] =	stream.indirect.gather [hbm4b:s3+s13], $0x80, s28, s13, $0xb8;
	[tilespmem:$0x16400] =	vst v63  }
0x31: {  	_ =	swait.ge [sflag:s18], $0x8000  }
0x32: {  	[sflag:s18] =	ssyncset.done $0x0  }
0x33: {  	[sflag:s18] =	ssyncadd.s32 $0xFFFF8000  }
0x34: {  	[hbm4b:s25+s13] =	stream.strided.scatter [tilespmem:s14], [sflag:$0x3], $0x8000, s19, s13, $0x38;
	[tilespmem:$0x16400] =	vst v63  }
0x35: {  	_ =	swait.ge [sflag:s12], $0x8000  }
0x36: {  	[sflag:s12] =	ssyncset.done $0x0  }
0x37: {  	s28 =	sadd.s32 $0x200, s26;
	[sflag:s12] =	ssyncadd.s32 $0xFFFF8000  }
0x38: {  	[tilespmem:s14], [sflag:$0x1] =	stream.indirect.gather [hbm4b:s3+s13], $0x80, s28, s13, $0xb8;
	[tilespmem:$0x16400] =	vst v63  }
0x39: {  	s26 =	sadd.s32 $0x280, s26  }
0x3a: {  	[tilespmem:s15], [sflag:$0x1] =	stream.indirect.gather [hbm4b:s3+s13], $0x80, s26, s13, $0xb8;
	[tilespmem:$0x16400] =	vst v63  }
0x3b: {  	_ =	swait.ge [sflag:s20], $0x8000  }
.Ltmp0:
0x3c: {  	[sflag:s20] =	ssyncset.done $0x0;
	(pc) =	sbr.rel @p0 .LBB2_2-.Ltmp0, $4  }
0x3d: {  	[sflag:s20] =	ssyncadd.s32 $0xFFFF8000  }
0x3e: {  	[hbm4b:s24+s13] =	stream.strided.scatter [tilespmem:s16], [sflag:$0x3], $0x8000, s19, s13, $0x38;
	[tilespmem:$0x16400] =	vst v63  }
0x3f: {  	s25 =	sadd.s32 $0x10, s25;
	s28 =	smov.u32 s31;
	_ =	swait.ge [sflag:s12], $0x8000  }
0x40: {  	s26 =	sshra.s32 s30, $0x2;
	s24 =	sadd.s32 $0x10, s24;
	[sflag:s12] =	ssyncset.done $0x0  }
0x41: {  	s28 =	sadd.s32 $0x100, s26;
	[sflag:s12] =	ssyncadd.s32 $0xFFFF8000  }
0x42: {  	[tilespmem:s16], [sflag:$0x2] =	stream.indirect.gather [hbm4b:s3+s13], $0x80, s28, s13, $0xb8;
	[tilespmem:$0x16400] =	vst v63  }
0x43: {  	s29 =	sadd.s32 $0x180, s26  }
0x44: {  	[tilespmem:s17], [sflag:$0x2] =	stream.indirect.gather [hbm4b:s3+s13], $0x80, s29, s13, $0xb8;
	[tilespmem:$0x16400] =	vst v63  }
0x45: {  	_ =	swait.ge [sflag:s18], $0x8000  }
0x46: {  	[sflag:s18] =	ssyncset.done $0x0  }
0x47: {  	[sflag:s18] =	ssyncadd.s32 $0xFFFF8000  }
0x48: {  	[hbm4b:s25+s13] =	stream.strided.scatter [tilespmem:s14], [sflag:$0x3], $0x8000, s19, s13, $0x38;
	[tilespmem:$0x16400] =	vst v63  }
0x49: {  	_ =	swait.ge [sflag:s12], $0x8000  }
0x4a: {  	[sflag:s12] =	ssyncset.done $0x0  }
0x4b: {  	s30 =	sadd.s32 $0x200, s26;
	[sflag:s12] =	ssyncadd.s32 $0xFFFF8000  }
0x4c: {  	[tilespmem:s14], [sflag:$0x1] =	stream.indirect.gather [hbm4b:s3+s13], $0x80, s30, s13, $0xb8;
	[tilespmem:$0x16400] =	vst v63  }
0x4d: {  	s31 =	sadd.s32 $0x280, s26  }
0x4e: {  	[tilespmem:s15], [sflag:$0x1] =	stream.indirect.gather [hbm4b:s3+s13], $0x80, s31, s13, $0xb8;
	[tilespmem:$0x16400] =	vst v63  }
0x4f: {  	_ =	swait.ge [sflag:s20], $0x8000  }
0x50: {  	[sflag:s20] =	ssyncset.done $0x0  }
0x51: {  	[sflag:s20] =	ssyncadd.s32 $0xFFFF8000  }
0x52: {  	[hbm4b:s24+s13] =	stream.strided.scatter [tilespmem:s16], [sflag:$0x3], $0x8000, s19, s13, $0x38;
	[tilespmem:$0x16400] =	vst v63  }
0x53: {  	_ =	swait.ge [sflag:s12], $0x8000  }
0x54: {  	[sflag:s12] =	ssyncset.done $0x0  }
0x55: {  	[sflag:s12] =	ssyncadd.s32 $0xFFFF8000  }
0x56: {  	[tilespmem:s16], [sflag:$0x2] =	stream.indirect.gather [hbm4b:s3+s13], $0x80, s21, s13, $0xb8;
	[tilespmem:$0x16400] =	vst v63  }
0x57: {  	_ = 	snop  }
0x58: {  	[tilespmem:s17], [sflag:$0x2] =	stream.indirect.gather [hbm4b:s3+s13], $0x80, s22, s13, $0xb8;
	[tilespmem:$0x16400] =	vst v63  }
0x59: {  	_ =	swait.ge [sflag:s18], $0x8000  }
0x5a: {  	[sflag:s18] =	ssyncset.done $0x0  }
0x5b: {  	[sflag:s18] =	ssyncadd.s32 $0xFFFF8000  }
0x5c: {  	[hbm4b:s6+s13] =	stream.strided.scatter [tilespmem:s14], [sflag:$0x3], $0x8000, s19, s13, $0x38;
	[tilespmem:$0x16400] =	vst v63  }
0x5d: {  	_ =	swait.ge [sflag:s12], $0x8000  }
0x5e: {  	[sflag:s12] =	ssyncset.done $0x0  }
0x5f: {  	[sflag:s12] =	ssyncadd.s32 $0xFFFF8000  }
0x60: {  	s23 =	sadd.s32 $0x1, s23;
	_ =	swait.ge [sflag:s20], $0x8000  }
0x61: {  	p0 =	sne.s32 s23, s5;
	[sflag:s20] =	ssyncset.done $0x0  }
.Ltmp1:
0x62: {  	[sflag:s20] =	ssyncadd.s32 $0xFFFF8000;
	(pc) =	sbr.rel @p0 .LBB2_1-.Ltmp1, $4  }
0x63: {  	[hbm4b:s7+s13] =	stream.strided.scatter [tilespmem:s16], [sflag:$0x3], $0x8000, s19, s13, $0x38;
	[tilespmem:$0x16400] =	vst v63  }
0x64: {  	_ =	swait.ge [sflag:s12], $0x8000  }
0x65: {  	[sflag:s12] =	ssyncset.done $0x0  }
0x66: {  	[sflag:s12] =	ssyncadd.s32 $0xFFFF8000  }
0x67: {  	_ =	sfence.sel $0x180000  }
0x68: {  	[bflag:$0x0] =	sbarrier.arrive $0xFFFF  }
0x69: {  	p0 =	sne.s32 s0, $0x0;
	_ =	strace $0x90000047  }
0x6a: {  	s0 =	sadd.s32 @!p0 $0x100000, s1;
	[bflag:$0x2] =	sbarrier.arrive $0xFFFF  }
0x6b: {  	[sflag:s0] =	ssyncadd.tile.s32 @!p0 $0x1;
	_ =	shalt  }
.Lfunc_end2:
_tile_overlayer_lowered:
.L_overlay_start_2:
0x6c: {  	(tag) =	ssettag $0x2  }
0x6d: {  	s0 =	rddreg [dreg:$0x0];
	s2 =	stileid.u32  }
0x6e: {  	s1 =	rddreg [dreg:$0x1];
	p0 =	sne.s32 s2, $0x0  }
0x6f: {  	s3 =	rddreg [dreg:$0x2];
	[bflag:$0x3] =	sbarrier.arrive $0xFFFF;
	s2 =	simm.s32 @!p0 $0x1C03  }
0x70: {  	[timem:s3], [sflag:s2] =	dma.local @!p0 [hbm:s0], s1  }
0x71: {  	s0 =	simm.s32 @!p0 $0x3  }
0x72: {  	_ =	swait.ge @!p0 [sflag:s0], s1  }
0x73: {  	s1 =	ssub.s32 @!p0 $0x0, s1;
	[sflag:s0] =	ssyncset.done @!p0 $0x0  }
0x74: {  	[sflag:s0] =	ssyncadd.s32 @!p0 s1  }
0x75: {  	[bflag:$0x3] =	sbarrier.arrive $0xFFFF  }
0x76: {  	_ =	shalt  }

// kernel: sparse-core-data-format-call.cloned.1.call-start
scs
called_computation_lowered:
.L_overlay_start_0:
0x0: {  	s2 =	sld [smem:$0x3FD9]  }
0x1: {  	s3 =	sld [smem:$0x3FFE];
	_ =	sdelay $0x1  }
0x2: {  	s1 =	srdreg.scid  }
0x3: {  	s0 =	sand.u32 $0x1, s1  }
0x4: {  	s18 =	sshll.u32 s0, $0xA;
	s2 =	sadd.s32 s3, s2  }
0x5: {  	s2 =	sadd.s32 s2, s18  }
0x6: {  	[smem:$0x3FC6] =	sst s2  }
0x7: {  	_ = 	snop  }
0x8: {  	s2 =	sld [smem:$0x3FD0];
	(tm) =	ssettm $0x1  }
0x9: {  	s19 =	sld [smem:$0x3FFB];
	_ =	sdelay $0x3  }
0xa: {  	_ =	strace s19  }
0xb: {  	s3 =	sld [smem:$0x3FFC];
	_ =	sdelay $0x3  }
0xc: {  	_ =	strace s3  }
0xd: {  	s3 =	sld [smem:$0x3FFD];
	_ =	sdelay $0x3  }
0xe: {  	_ =	strace s3  }
0xf: {  	_ =	strace $0x8FFFFFFF  }
0x10: {  	s20 =	sld [smem:$0x3FDB];
	_ =	sdelay $0x1  }
0x11: {  	s4 =	simm.s32 $_scs_section_size  }
0x12: {  	s5 =	simm.s32 $_size__tile_overlayer_lowered;
	s6 =	simm.s32 $_tile_overlayer_lowered  }
0x13: {  	s23 =	simm.s32 $0x1BFF;
	s22 =	sshll.u32 s6, $0x1;
	s3 =	sadd.s32 s4, s20  }
0x14: {  	s7 =	simm.s32 $0x0;
	s21 =	sshll.u32 s5, $0x1;
	s5 =	sadd.s32 s22, s3  }
0x15: {  	[timem:s7], [sflag:s23] =	dma.local [hbm:s5], s21  }
0x16: {  	_ =	swait.ge [sflag:s23], s21  }
0x17: {  	s4 =	ssub.s32 $0x0, s21;
	[sflag:s23] =	ssyncset.done $0x0  }
0x18: {  	[sflag:s23] =	ssyncadd.s32 s4;
	_ =	sdelay $0x1  }
0x19: {  	s24 =	simm.s32 $0x1B8B  }
0x1a: {  	_ =	swait.ge [sflag:s24], $0x1  }
0x1b: {  	[sflag:s24] =	ssyncset.done $0x0  }
0x1c: {  	s26 =	simm.s32 $0x1B8E;
	s25 =	sld [smem:$0x3FFE];
	[sflag:s24] =	ssyncadd.s32 $0xFFFFFFFF  }
0x1d: {  	s27 =	simm.s32 $execute0_lowered;
	[smem:$0x3FD2] =	sst s26  }
0x1e: {  	s5 =	sshll.u32 s27, $0x1;
	_ =	strace $0x80000049;
	[dreg:$0x1] =	wrdreg $0xFFFFFFFF  }
0x1f: {  	s28 =	simm.s32 $_size_execute0_lowered;
	s3 =	sadd.s32 s3, s5;
	[dreg:$0x0] =	wrdreg $0x0  }
0x20: {  	s5 =	sshll.u32 s28, $0x1;
	[dreg:$0x2] =	wrdreg s3  }
0x21: {  	[dreg:$0x3] =	wrdreg s5  }
0x22: {  	[dreg:$0x4] =	wrdreg $0xC0  }
0x23: {  	_ =	task [dreg:s7], $0x5FFFF  }
0x24: {  	[dreg:$0x1] =	wrdreg $0xFFFFFFFF  }
0x25: {  	[dreg:$0x0] =	wrdreg $0x60  }
0x26: {  	[dreg:$0x2] =	wrdreg s25  }
0x27: {  	[dreg:$0x3] =	wrdreg s2  }
0x28: {  	[dreg:$0x4] =	wrdreg $0x9  }
0x29: {  	_ =	task.clear_ibuf [dreg:s7], $0x5FFFF;
	_ =	strace $0x90000049  }
0x2a: {  	s29 =	simm.s32 $0x9;
	_ =	strace $0x8000004B  }
0x2b: {  	_ =	swait.ge [sflag:s29], $0x1  }
0x2c: {  	[sflag:s29] =	ssyncadd.s32 $0xFFFFFFFF  }
0x2d: {  	_ =	strace $0x9000004B  }
0x2e: {  	_ =	sfence  }
0x2f: {  	s30 =	sld [smem:$0x0];
	_ =	sdelay $0x2  }
0x30: {  	s31 =	sshll.u32 s1, $0xD;
	s1 =	sshrl.u32 s1, $0x2  }
0x31: {  	s3 =	sand.u32 $0x4000, s31;
	s1 =	sadd.s32 s1, s30  }
0x32: {  	s0 =	sor.u32 s3, s0;
	s1 =	sshll.u32 s1, $0x11  }
0x33: {  	s0 =	sor.u32 s1, s0  }
0x34: {  	s0 =	sadd.s32 $0x8F2B, s0  }
0x35: {  	[sflag:s0] =	ssyncadd.remote.s32 $0x1  }
0x36: {  	_ =	sfence.sel $0xFFFF  }
0x37: {  	[dreg:$0x0] =	wrdreg $0xFFFFFFFF;
	(pc) =	sbr.abs _section_cstart, $3  }
0x38: {  	[dreg:$0x1] =	wrdreg $0xFFFFFFFF  }
0x39: {  	_ =	task.clear_ibuf [dreg:s7], $0x2FFFF;
	_ =	strace $0x9FFFFFFF  }
0x3a: {  	(tm) =	ssettm $0x7FFFFFFF  }
0x3b: {  	_ =	shalt  }
tec
execute0_lowered:
.L_overlay_start_1:
0x0: {  	(tag) =	ssettag $0x1  }
0x1: {  	s0 =	srdreg.scid  }
0x2: {  	s1 =	sshll.u32 s0, $0x4  }
0x3: {  	s0 =	stileid.u32;
	s1 =	sand.u32 $0x10, s1  }
0x4: {  	s1 =	sor.u32 s0, s1  }
0x5: {  	s6 =	rddreg [dreg:$0x0];
	s4 =	simm.s32 $0x1;
	s2 =	sshll.u32 s1, $0x7  }
0x6: {  	s7 =	simm.s32 $0x2;
	s12 =	simm.s32 $0x0;
	s1 =	ssub.s32 $0x4000, s2  }
0x7: {  	s8 =	simm.s32 $0x20000;
	s13 =	simm.s32 $0x0;
	s3 =	sand.u32 $0xF80, s1  }
0x8: {  	s9 =	simm.s32 $0x0;
	s5 =	sshrl.u32 s1, $0xC;
	p0 =	sne.s32 s3, $0x0  }
.Ltmp0:
0x9: {  	s1 =	rddreg [dreg:$0x2];
	s4 =	simm.s32 @!p0 $0x0;
	(pc) =	sbr.rel .LBB1_1-.Ltmp0, $4  }
0xa: {  	s11 =	simm.s32 $0x0;
	s3 =	rddreg [dreg:$0x1];
	s5 =	sadd.s32 s4, s5  }
0xb: {  	_ =	strace $0x8000004A;
	s4 =	simm.s32 $0x1;
	s5 =	smul.u32 $0x32, s5  }
0xc: {  	s6 =	sadd.s32 $0xA00, s6;
	s10 =	smov.u32 s2;
	[sflag:s4] =	ssyncpa.u1 $0x0  }
0xd: {  	p0 =	por $0x0, $0x0;
	[sflag:s7] =	ssyncpa.u1 $0x0;
	s7 =	sor.u32 $0x1, s5  }
.LBB1_4:
0xe: {  	s16 =	sshll.u32 s13, $0x3;
	s17 =	sand.u32 $0x78, s13  }
0xf: {  	s30 =	sand.u32 $0x1F800, s13;
	s12 =	sshll.u32 s12, $0x11;
	s16 =	sand.u32 $0x3C00, s16  }
0x10: {  	[tilespmem:s15+$0x810 ss:$0x81] =	vst.msk $0xffff, v2;
	s31 =	sand.u32 $0x7, s13;
	s16 =	sor.u32 s17, s16;
	s17 =	sadd.s32 s3, s30  }
0x11: {  	[tilespmem:s15+$0x1020 ss:$0x81] =	vst.msk $0xffff, v0;
	s13 =	sshll.u32 s31, $0x12;
	s12 =	sadd.s32 s12, s17;
	s16 =	sshrl.u32 s16, $0x3  }
0x12: {  	[tilespmem:s15+$0x0 ss:$0x81] =	vst.msk $0xffff, v1;
	s13 =	sor.u32 $0x400, s13;
	s12 =	sadd.s32 s16, s12  }
0x13: {  	[hbm4b:s12+s13] =	stream.strided.scatter [tilespmem:s14], [sflag:$0x2], $0x2000, s8, s13, $0x20;
	[tilespmem:$0x8080] =	vst v63  }
.LBB1_5:
0x14: {  	s14 =	sadd.s32 $0x1, s9  }
0x15: {  	s12 =	sadd.s32 $0x1000, s10;
	s16 =	smov.u32 s10;
	p2 =	sgt.s32 s14, $0x31  }
0x16: {  	s16 =	smov.u32 @p2 s12  }
0x17: {  	s14 =	simm.s32 @p2 $0x0;
	p2 =	sgt.s32 s16, $0x3FFF  }
0x18: {  	s16 =	smov.u32 @p2 s2;
	p2 =	sne.s32 s11, s7  }
.Ltmp1:
0x19: {  	p1 =	slt.u32 s11, $0x2;
	(pc) =	sbr.rel @!p2 .LBB1_6-.Ltmp1, $4  }
0x1a: {  	s15 =	simm.s32 @!p1 $0x2  }
0x1b: {  	s13 =	smov.u32 s10;
	p0 =	por !p0, !p0;
	_ =	swait.ge @!p1 [sflag:s15], $0x2000  }
0x1c: {  	s12 =	smov.u32 s9;
	[sflag:s15] =	ssyncset.done @!p1 $0x0;
	s9 =	smov.u32 s14  }
0x1d: {  	s11 =	sadd.s32 $0x1, s11;
	[sflag:s15] =	ssyncadd.s32 @!p1 $0xFFFFE000;
	s10 =	smov.u32 s16  }
.LBB1_1:
0x1e: {  	p1 =	sge.u32 s11, s5  }
0x1f: {  	s14 =	sand.u32 @!p1 $0x1FFFFFF, s9  }
0x20: {  	s15 =	smulhi.u32 @!p1 $0x4924925, s14;
	_ =	sdelay $0x1  }
0x21: {  	s15 =	smul.u32 @!p1 $0x38, s15  }
0x22: {  	s16 =	sxor.u32 @!p1 $0xFFFFFFFF, s11;
	s17 =	smul.u32 @!p1 $0x380, s10  }
0x23: {  	s31 =	sadd.s32 $0xFFFFFFFF, s11;
	s16 =	sshll.u32 @!p1 s16, $0xD;
	s14 =	ssub.s32 @!p1 s14, s15  }
0x24: {  	s15 =	sand.u32 @!p1 $0x2000, s16;
	s16 =	sadd.s32 @!p1 s6, s17;
	s14 =	sshll.u32 @!p1 s14, $0x4  }
0x25: {  	s17 =	simm.s32 @!p1 $0x1C00;
	s14 =	sadd.s32 @!p1 s14, s16;
	s16 =	simm.s32 @!p1 $0x40  }
0x26: {  	[tilespmem:s15], [sflag:$0x1] =	stream.strided.gather @!p1 [hbm4b:s14+s16], $0x2000, s17, s16, $0x38;
	[tilespmem:$0x8080] =	vst v63  }
0x27: {  	p1 =	sge.u32 s31, s5  }
.Ltmp2:
0x28: {  	_ = 	snop;
	(pc) =	sbr.rel @p1 .LBB1_5-.Ltmp2, $1  }
0x29: {  	_ =	sdelay $0x3  }
0x2a: {  	s14 =	simm.s32 $0x1  }
0x2b: {  	_ =	swait.ge [sflag:s4], $0x2000;
	s14 =	simm.s32 @!p0 $0x0  }
0x2c: {  	[sflag:s4] =	ssyncset.done $0x0;
	s15 =	sshll.u32 s14, $0xD  }
0x2d: {  	[sflag:s4] =	ssyncadd.s32 $0xFFFFE000;
	s18 =	sor.u32 $0x20, s15  }
0x2e: {  	s14 =	smul.u32 $0x8100, s14;
	v3 =	vld [tilespmem:s18+$0x10]  }
0x2f: {  	s30 =	sand.u32 $0x1, s11;
	v2 =	vld [tilespmem:s18+$0xFFFFFFF0]  }
0x30: {  	s15 =	smul.u32 $0x8100, s30;
	s14 =	sshrl.u32 s14, $0x2;
	v0 =	vld [tilespmem:s18+$0x0]  }
0x31: {  	v1 =	vld [tilespmem:s18+$0xFFFFFFE0];
	s16 =	sor.u32 $0x4000, s14  }
0x32: {  	s31 =	sshrl.u32 s15, $0x2;
	s15 =	sadd.s32 $0x0, s16  }
0x33: {  	s17 =	simm.s32 $0x4;
	s18 =	sadd.s32 $0x40, s18;
	s14 =	sor.u32 $0x4000, s31;
	[tilespmem:s15+$0x1830 ss:$0x81] =	vst.msk $0xffff, v3  }
.LBB1_3:
0x34: {  	v3 =	vld [tilespmem:s18+$0x10];
	p1 =	sne.s32 s17, $0x1FC;
	[tilespmem:s15+$0x810 ss:$0x81] =	vst.msk $0xffff, v2;
	s19 =	smov.u32 s17;
	s17 =	sadd.s32 $0x4, s17  }
.Ltmp3:
0x35: {  	v2 =	vld [tilespmem:s18+$0xFFFFFFF0];
	[tilespmem:s15+$0x1020 ss:$0x81] =	vst.msk $0xffff, v0;
	(pc) =	sbr.rel @p1 .LBB1_3-.Ltmp3, $4  }
0x36: {  	v0 =	vld [tilespmem:s18+$0x0];
	[tilespmem:s15+$0x0 ss:$0x81] =	vst.msk $0xffff, v1  }
0x37: {  	s15 =	sshra.s32 s19, $0x2;
	v1 =	vld [tilespmem:s18+$0xFFFFFFE0]  }
0x38: {  	s15 =	sadd.s32 s15, s16  }
0x39: {  	s18 =	sadd.s32 $0x40, s18;
	[tilespmem:s15+$0x1830 ss:$0x81] =	vst.msk $0xffff, v3  }
.Ltmp4:
0x3a: {  	_ = 	snop;
	(pc) =	sbr.rel .LBB1_4-.Ltmp4, $1  }
0x3b: {  	_ =	sdelay $0x3  }
.LBB1_6:
0x3c: {  	_ =	sfence.sel $0x180000  }
0x3d: {  	s2 =	simm.s32 $0x1;
	[bflag:$0x0] =	sbarrier.arrive $0xFFFF  }
0x3e: {  	s31 =	simm.s32 $0x2;
	[sflag:s2] =	ssyncpa.u1 $0x1  }
0x3f: {  	[sflag:s31] =	ssyncpa.u1 $0x1  }
0x40: {  	p0 =	sne.s32 s0, $0x0;
	_ =	strace $0x9000004A  }
0x41: {  	s0 =	sadd.s32 @!p0 $0x100000, s1;
	[bflag:$0x2] =	sbarrier.arrive $0xFFFF  }
0x42: {  	[sflag:s0] =	ssyncadd.tile.s32 @!p0 $0x1;
	_ =	shalt  }
.Lfunc_end1:
_tile_overlayer_lowered:
.L_overlay_start_2:
0x43: {  	(tag) =	ssettag $0x2  }
0x44: {  	s0 =	rddreg [dreg:$0x0];
	s2 =	stileid.u32  }
0x45: {  	s1 =	rddreg [dreg:$0x1];
	p0 =	sne.s32 s2, $0x0  }
0x46: {  	s3 =	rddreg [dreg:$0x2];
	[bflag:$0x3] =	sbarrier.arrive $0xFFFF;
	s2 =	simm.s32 @!p0 $0x1C01  }
0x47: {  	[timem:s3], [sflag:s2] =	dma.local @!p0 [hbm:s0], s1  }
0x48: {  	s0 =	simm.s32 @!p0 $0x1  }
0x49: {  	_ =	swait.ge @!p0 [sflag:s0], s1  }
0x4a: {  	s1 =	ssub.s32 @!p0 $0x0, s1;
	[sflag:s0] =	ssyncset.done @!p0 $0x0  }
0x4b: {  	[sflag:s0] =	ssyncadd.s32 @!p0 s1  }
0x4c: {  	[bflag:$0x3] =	sbarrier.arrive $0xFFFF  }
0x4d: {  	_ =	shalt  }

</sc_bundles>
